<compile_context>
chip_gen: v7x
topology: tpu7x:2x2x1
jax: 0.10.2.dev20260603
libtpu: 0.0.44.dev20260713+nightly
codegen_flags: <defaults>
</compile_context>

<pallas_src>
import functools

import jax
import jax.numpy as jnp
from jax import lax
from jax.experimental import pallas as pl
from jax.experimental.pallas import tpu as pltpu
from jax.experimental.pallas import tpu_sc as plsc

CLASSES = 128
SUPER = 8
CF = CLASSES // SUPER
BW = 2048
NTOK = 4 * 8192
NWORK = 32
NSLAB = 1
NTOK_S = NTOK // NSLAB
CHUNK = NTOK_S // NWORK

_F32 = jnp.float32


def _lrelu(v):
    return jnp.maximum(v, 0.01 * v)


def _mm(w, v):
    return jax.lax.dot_general(w, v, (((1,), (0,)), ((), ())),
                               preferred_element_type=_F32)


def _tc_body(x_ref, cl1_w_ref, cl1_b_ref, cl2_w_ref, cl2_b_ref, cl3_w_ref,
             cl3_b_ref, reg1_w_ref, reg1_b_ref, w2r_ref, w2h_ref, b2t_ref,
             x32_ref, inds_ref, mask_ref):
    x = x_ref[0, :, 0, :]

    h1 = _lrelu(_mm(cl1_w_ref[...], x) + cl1_b_ref[...].reshape(128, 1))
    h2 = _lrelu(_mm(cl2_w_ref[...], h1) + cl2_b_ref[...].reshape(128, 1))
    lg = _mm(cl3_w_ref[...], h2) + cl3_b_ref[...].reshape(CLASSES + 1, 1)
    mask_ref[0, 0, 0, :] = _lrelu(lg[CLASSES, :])

    cls = lg[0:CLASSES, :]
    m = jnp.max(cls, axis=0, keepdims=True)
    row_iota = jax.lax.broadcasted_iota(jnp.int32, (CLASSES, BW), 0)
    inds = jnp.min(jnp.where(cls == m, row_iota, CLASSES), axis=0,
                   keepdims=True)
    inds_ref[...] = inds

    r1 = _lrelu(_mm(reg1_w_ref[...], x) + reg1_b_ref[...].reshape(128, 1))
    y = (_mm(w2r_ref[...], r1) +
         _mm(w2h_ref[...], h1))

    s = inds // CF
    oh8 = (jax.lax.broadcasted_iota(jnp.int32, (SUPER, BW), 0)
           == s).astype(_F32)
    b32 = _mm(b2t_ref[...], oh8)
    x32 = y[0:32, :]
    for e in range(1, SUPER):
        x32 = jnp.where(s == e, y[e * 32:(e + 1) * 32, :], x32)
    x32_ref[...] = _lrelu(x32 + b32)


def _sc_body(x32_hbm, inds_hbm, w3bt_hbm, out_hbm,
             idx_v, x32_v, w3t_v, out_v):
    wid = lax.axis_index("s") * 2 + lax.axis_index("c")
    base = wid * CHUNK
    pltpu.sync_copy(inds_hbm.at[0, pl.ds(base, CHUNK)], idx_v)
    pltpu.sync_copy(x32_hbm.at[:, pl.ds(base, CHUNK)], x32_v)
    pltpu.sync_copy(w3bt_hbm, w3t_v)

    @plsc.parallel_loop(0, CHUNK // 16, unroll=2)
    def group(g):
        b16 = g * 16
        idx16 = idx_v[pl.ds(b16, 16)]
        acc = plsc.load_gather(w3t_v, [idx16 + (32 * CLASSES)])
        for j in range(32):
            xj = x32_v[j, pl.ds(b16, 16)]
            wj = plsc.load_gather(w3t_v, [idx16 + (j * CLASSES)])
            acc = acc + xj * wj
        out_v[pl.ds(b16, 16)] = ((idx16.astype(_F32) + acc) *
                                 (1.0 / float(CLASSES)))
    pltpu.sync_copy(out_v, out_hbm.at[pl.ds(base, CHUNK)])


def _tc_slab(x_slab, cl1_w, cl1_b, cl2_w, cl2_b, cl3_w, cl3_b,
             reg1_w, reg1_b, w2r, w2h, b2t):
    B, C, H, W = x_slab.shape
    grid = (B, W // BW)
    nj = W // BW
    wspec = lambda shape: pl.BlockSpec(shape, lambda b, j: (0,) * len(shape))
    out_shapes = (
        jax.ShapeDtypeStruct((32, NTOK_S), jnp.float32),
        jax.ShapeDtypeStruct((1, NTOK_S), jnp.int32),
        jax.ShapeDtypeStruct((B, 1, 1, W), jnp.float32),
    )
    return pl.pallas_call(
        _tc_body,
        grid=grid,
        in_specs=[
            pl.BlockSpec((1, C, 1, BW), lambda b, j: (b, 0, 0, j)),
            wspec((128, 128)), wspec((128,)),
            wspec((128, 128)), wspec((128,)),
            wspec((CLASSES + 1, 128)), wspec((CLASSES + 1,)),
            wspec((128, 128)), wspec((128,)),
            wspec((256, 128)), wspec((256, 128)),
            wspec((32, SUPER)),
        ],
        out_specs=(
            pl.BlockSpec((32, BW), lambda b, j: (0, b * nj + j)),
            pl.BlockSpec((1, BW), lambda b, j: (0, b * nj + j)),
            pl.BlockSpec((1, 1, 1, BW), lambda b, j: (b, 0, 0, j)),
        ),
        out_shape=out_shapes,
    )(x_slab, cl1_w, cl1_b, cl2_w, cl2_b, cl3_w, cl3_b,
      reg1_w, reg1_b, w2r, w2h, b2t)


@jax.jit
def _run(x_in, cl1_w, cl1_b, cl2_w, cl2_b, cl3_w, cl3_b,
         reg1_w, reg1_b, w2r, w2h, b2t, w3b):
    B, C, H, W = x_in.shape
    ws = W // NSLAB

    mesh = plsc.VectorSubcoreMesh(core_axis_name="c", subcore_axis_name="s")
    sc = functools.partial(
        pl.kernel, mesh=mesh,
        compiler_params=pltpu.CompilerParams(needs_layout_passes=False),
        out_type=jax.ShapeDtypeStruct((NTOK_S,), jnp.float32),
        scratch_types=[
            pltpu.VMEM((CHUNK,), jnp.int32),
            pltpu.VMEM((32, CHUNK), jnp.float32),
            pltpu.VMEM((33 * CLASSES,), jnp.float32),
            pltpu.VMEM((CHUNK,), jnp.float32),
        ],
    )(_sc_body)

    tc_outs = []
    for i in range(NSLAB):
        x_slab = jax.lax.slice_in_dim(x_in, i * ws, (i + 1) * ws, axis=3)
        tc_outs.append(_tc_slab(x_slab, cl1_w, cl1_b, cl2_w, cl2_b, cl3_w,
                                cl3_b, reg1_w, reg1_b, w2r, w2h, b2t))
    xr_slabs = [sc(x32, inds, w3b).reshape(B, 1, 1, ws)
                for (x32, inds, _) in tc_outs]
    x_real = jnp.concatenate(xr_slabs, axis=3)
    mask = jnp.concatenate([m for (_, _, m) in tc_outs], axis=3)
    return x_real, mask


def kernel(x_in, cl1_w, cl1_b, cl2_w, cl2_b, cl3_w, cl3_b,
           reg1_w, reg1_b, reg2_w, reg2_b, reg3_w, reg3_b):
    w2all = jnp.transpose(reg2_w, (0, 2, 1)).reshape(SUPER * 32, 256)
    w2r = w2all[:, 0:128]
    w2h = w2all[:, 128:256]
    b2t = reg2_b.T
    w3b = jnp.concatenate(
        [reg3_w[:, :, 0].T, reg3_b[:, 0].reshape(1, CLASSES)],
        axis=0).reshape(-1)
    x_real, mask = _run(x_in, cl1_w, cl1_b, cl2_w, cl2_b, cl3_w, cl3_b,
                        reg1_w, reg1_b, w2r, w2h, b2t, w3b)
    return (x_real, mask)

# --- scband reference (transcript-rebuilt; emitter-appended) ---
"""Pipeline reference for scband-cr8-reg-cond-mul-6-13975823582043 (READ-ONLY COPY).

The authoritative reference and input builder live on the scoring server;
editing this copy changes nothing except your own understanding.
"""

import jax, jax.numpy as jnp
import numpy as np

CLASSES = 128
SUPER = 8
CF = CLASSES // SUPER


def _init(key):
    ks = jax.random.split(key, 12)
    def w(k, shape, fan_in):
        return (jax.random.normal(k, shape, dtype=jnp.float32) / np.sqrt(fan_in)).astype(jnp.float32)
    p = {}
    p['cl1_w'] = w(ks[0], (128, 128), 128); p['cl1_b'] = w(ks[1], (128,), 128)
    p['cl2_w'] = w(ks[2], (128, 128), 128); p['cl2_b'] = w(ks[3], (128,), 128)
    p['cl3_w'] = w(ks[4], (CLASSES + 1, 128), 128); p['cl3_b'] = w(ks[5], (CLASSES + 1,), 128)
    p['reg1_w'] = w(ks[6], (128, 128), 128); p['reg1_b'] = w(ks[7], (128,), 128)
    p['reg2_w'] = w(ks[8], (SUPER, 256, 32), 256); p['reg2_b'] = w(ks[9], (SUPER, 32), 256)
    p['reg3_w'] = w(ks[10], (CLASSES, 32, 1), 32); p['reg3_b'] = w(ks[11], (CLASSES, 1), 32)
    return p


def setup_inputs(seed: int = 0):
    key = jax.random.key(seed)
    k0, k1 = jax.random.split(key)
    inp = {'x_in': jax.random.normal(k0, (4, 128, 1, 8192), dtype=jnp.float32)}
    inp.update(_init(k1))
    return inp


def _conv1x1(x, w, b):
    return jnp.einsum('oi,bihw->bohw', w, x) + b[None, :, None, None]


def _cond_mul_small(x, idx, w, b):
    # per-row expert matmul, E small: compute all experts then select (same math as x[n] @ w[idx[n]] + b[idx[n]])
    y = jnp.einsum('nf,efo->eno', x, w)
    n = x.shape[0]
    return y[idx, jnp.arange(n)] + b[idx]


def _cond_mul_gather(x, idx, w, b):
    return jnp.einsum('nf,nfo->no', x, w[idx]) + b[idx]


def reference(x_in, cl1_w, cl1_b, cl2_w, cl2_b, cl3_w, cl3_b, reg1_w, reg1_b, reg2_w, reg2_b, reg3_w, reg3_b):
    lr = lambda v: jax.nn.leaky_relu(v, 0.01)
    B = x_in.shape[0]
    x = lr(_conv1x1(x_in, cl1_w, cl1_b))
    x = lr(_conv1x1(x, cl2_w, cl2_b))
    x = _conv1x1(x, cl3_w, cl3_b)
    classes = x[:, 0:CLASSES, :, :]
    mask = lr(x[:, -1:, :, :])
    inds = jnp.argmax(classes, axis=1)[:, None, :, :]
    inds_r = jnp.clip(inds.reshape(-1), 0, CLASSES - 1).astype(jnp.int32)
    inds_super = jnp.clip(inds_r // CF, 0, SUPER - 1)
    x = lr(_conv1x1(x_in, reg1_w, reg1_b))
    x = jnp.concatenate([x, lr(_conv1x1(x_in, cl1_w, cl1_b))], axis=1)
    x = jnp.transpose(x, (0, 3, 2, 1)).reshape(-1, x.shape[1])
    x = lr(_cond_mul_small(x, inds_super, reg2_w, reg2_b))
    regression = _cond_mul_gather(x, inds_r, reg3_w, reg3_b)
    regression = regression.reshape((B, 1, 1, -1))
    x_real = (inds.astype(jnp.float32) + regression) * (1.0 / float(CLASSES))
    return (x_real, mask)

if __name__ == "__main__":
    import jax
    _d = setup_inputs()
    print(jax.jit(kernel)(*tuple(_d.values())))

</pallas_src>

<mosaic_0001>
#map = affine_map<(d0, d1) -> (0, 0)>
#map1 = affine_map<(d0, d1) -> (0)>
module attributes {stable_mosaic.version = 14 : i64} {
  func.func @_sc_body(%arg0: i32, %arg1: i32, %arg2: memref<32x32768xf32, #tpu.memory_space<hbm>>, %arg3: memref<1x32768xi32, #tpu.memory_space<hbm>>, %arg4: memref<4224xf32, #tpu.memory_space<hbm>>, %arg5: memref<32768xf32, #tpu.memory_space<hbm>>, %arg6: memref<1024xi32, #tpu.memory_space<vmem>>, %arg7: memref<32x1024xf32, #tpu.memory_space<vmem>>, %arg8: memref<4224xf32, #tpu.memory_space<vmem>>, %arg9: memref<1024xf32, #tpu.memory_space<vmem>>) attributes {dimension_semantics = [#tpu.dimension_semantics<core_parallel>, #tpu.dimension_semantics<subcore_parallel>], iteration_bounds = array<i64: 2, 16>, scalar_prefetch = 0 : i64, scratch_operands = 4 : i64, tpu.core_type = #tpu.core_type<sc_vector_subcore>, window_params = [{transform_indices = #map}, {transform_indices = #map}, {transform_indices = #map1}, {transform_indices = #map1}]} {
    %mul3A = arith.constant 2 : i32
    %mul3A_0 = arith.muli %arg1, %mul3A : i32
    %add3A = arith.addi %mul3A_0, %arg0 : i32
    %mul3A_1 = arith.constant 1024 : i32
    %mul3A_2 = arith.muli %add3A, %mul3A_1 : i32
    %run_scoped3A = arith.constant 0 : i32
    "tpu.region"() ({
      %run_scoped3A_5 = tpu.sem_alloc : memref<!tpu.dma_semaphore, #tpu.memory_space<semaphore_mem>>
      %dma_start3A = tpu.memref_slice %arg3[%run_scoped3A, %mul3A_2] : memref<1x32768xi32, #tpu.memory_space<hbm>> -> memref<1x1024xi32, #tpu.memory_space<hbm>>
      %dma_start3A_6 = tpu.memref_squeeze %dma_start3A : memref<1x1024xi32, #tpu.memory_space<hbm>> -> memref<1024xi32, #tpu.memory_space<hbm>>
      %dma_start3A_7 = tpu.memref_slice %arg3[%run_scoped3A, %mul3A_2] : memref<1x32768xi32, #tpu.memory_space<hbm>> -> memref<1x1024xi32, #tpu.memory_space<hbm>>
      %dma_start3A_8 = tpu.memref_squeeze %dma_start3A_7 : memref<1x1024xi32, #tpu.memory_space<hbm>> -> memref<1024xi32, #tpu.memory_space<hbm>>
      tpu.enqueue_dma source(%dma_start3A_8 : memref<1024xi32, #tpu.memory_space<hbm>>) target(%arg6 : memref<1024xi32, #tpu.memory_space<vmem>>) target_semaphore(%run_scoped3A_5 : memref<!tpu.dma_semaphore, #tpu.memory_space<semaphore_mem>>)
      %dma_wait3A = tpu.memref_slice %arg3[%run_scoped3A, %mul3A_2] : memref<1x32768xi32, #tpu.memory_space<hbm>> -> memref<1x1024xi32, #tpu.memory_space<hbm>>
      %dma_wait3A_9 = tpu.memref_squeeze %dma_wait3A : memref<1x1024xi32, #tpu.memory_space<hbm>> -> memref<1024xi32, #tpu.memory_space<hbm>>
      %dma_wait3A_10 = tpu.memref_slice %arg3[%run_scoped3A, %mul3A_2] : memref<1x32768xi32, #tpu.memory_space<hbm>> -> memref<1x1024xi32, #tpu.memory_space<hbm>>
      %dma_wait3A_11 = tpu.memref_squeeze %dma_wait3A_10 : memref<1x1024xi32, #tpu.memory_space<hbm>> -> memref<1024xi32, #tpu.memory_space<hbm>>
      tpu.wait_dma2 semaphore(%run_scoped3A_5 : memref<!tpu.dma_semaphore, #tpu.memory_space<semaphore_mem>>) src(%dma_wait3A_11 : memref<1024xi32, #tpu.memory_space<hbm>>) dst(%arg6 : memref<1024xi32, #tpu.memory_space<vmem>>)
      tpu.yield
    }) : () -> ()
    "tpu.region"() ({
      %run_scoped3A_5 = tpu.sem_alloc : memref<!tpu.dma_semaphore, #tpu.memory_space<semaphore_mem>>
      %dma_start3A = arith.constant 0 : i32
      %dma_start3A_6 = tpu.memref_slice %arg2[%dma_start3A, %mul3A_2] : memref<32x32768xf32, #tpu.memory_space<hbm>> -> memref<32x1024xf32, #tpu.memory_space<hbm>>
      %dma_start3A_7 = arith.constant 0 : i32
      %dma_start3A_8 = tpu.memref_slice %arg2[%dma_start3A_7, %mul3A_2] : memref<32x32768xf32, #tpu.memory_space<hbm>> -> memref<32x1024xf32, #tpu.memory_space<hbm>>
      tpu.enqueue_dma source(%dma_start3A_8 : memref<32x1024xf32, #tpu.memory_space<hbm>>) target(%arg7 : memref<32x1024xf32, #tpu.memory_space<vmem>>) target_semaphore(%run_scoped3A_5 : memref<!tpu.dma_semaphore, #tpu.memory_space<semaphore_mem>>)
      %dma_wait3A = arith.constant 0 : i32
      %dma_wait3A_9 = tpu.memref_slice %arg2[%dma_wait3A, %mul3A_2] : memref<32x32768xf32, #tpu.memory_space<hbm>> -> memref<32x1024xf32, #tpu.memory_space<hbm>>
      %dma_wait3A_10 = arith.constant 0 : i32
      %dma_wait3A_11 = tpu.memref_slice %arg2[%dma_wait3A_10, %mul3A_2] : memref<32x32768xf32, #tpu.memory_space<hbm>> -> memref<32x1024xf32, #tpu.memory_space<hbm>>
      tpu.wait_dma2 semaphore(%run_scoped3A_5 : memref<!tpu.dma_semaphore, #tpu.memory_space<semaphore_mem>>) src(%dma_wait3A_11 : memref<32x1024xf32, #tpu.memory_space<hbm>>) dst(%arg7 : memref<32x1024xf32, #tpu.memory_space<vmem>>)
      tpu.yield
    }) : () -> ()
    "tpu.region"() ({
      %run_scoped3A_5 = tpu.sem_alloc : memref<!tpu.dma_semaphore, #tpu.memory_space<semaphore_mem>>
      tpu.enqueue_dma source(%arg4 : memref<4224xf32, #tpu.memory_space<hbm>>) target(%arg8 : memref<4224xf32, #tpu.memory_space<vmem>>) target_semaphore(%run_scoped3A_5 : memref<!tpu.dma_semaphore, #tpu.memory_space<semaphore_mem>>)
      tpu.wait_dma2 semaphore(%run_scoped3A_5 : memref<!tpu.dma_semaphore, #tpu.memory_space<semaphore_mem>>) src(%arg4 : memref<4224xf32, #tpu.memory_space<hbm>>) dst(%arg8 : memref<4224xf32, #tpu.memory_space<vmem>>)
      tpu.yield
    }) : () -> ()
    %parallel_loop3A = arith.constant 0 : i32
    %parallel_loop3A_3 = arith.constant 64 : i32
    %parallel_loop3A_4 = arith.constant 1 : i32
    scf.for %parallel_loop3A_5 = %parallel_loop3A to %parallel_loop3A_3 step %parallel_loop3A_4  : i32 {
      %parallel_loop3A_6 = arith.constant 16 : i32
      %parallel_loop3A_7 = arith.muli %parallel_loop3A_5, %parallel_loop3A_6 : i32
      %parallel_loop3A_8 = arith.index_cast %parallel_loop3A_7 : i32 to index
      %parallel_loop3A_9 = tpu.vector_load %arg6[%parallel_loop3A_8] {strides = array<i32>} : memref<1024xi32, #tpu.memory_space<vmem>>, vector<16xi32>,
      %parallel_loop3A_10 = arith.constant 4096 : i32
      %parallel_loop3A_11 = vector.broadcast %parallel_loop3A_10 : i32 to vector<16xi32>
      %parallel_loop3A_12 = arith.addi %parallel_loop3A_9, %parallel_loop3A_11 : vector<16xi32>
      %parallel_loop3A_13 = tpu.vector_load_idx %arg8[%parallel_loop3A_12] : memref<4224xf32, #tpu.memory_space<vmem>>[vector<16xi32>], vector<16xf32>,
      %parallel_loop3A_14 = arith.constant 0 : i32
      %parallel_loop3A_15 = arith.index_cast %parallel_loop3A_14 : i32 to index
      %parallel_loop3A_16 = arith.index_cast %parallel_loop3A_7 : i32 to index
      %parallel_loop3A_17 = tpu.vector_load %arg7[%parallel_loop3A_15, %parallel_loop3A_16] {strides = array<i32>} : memref<32x1024xf32, #tpu.memory_space<vmem>>, vector<16xf32>,
      %parallel_loop3A_18 = arith.constant 0 : i32
      %parallel_loop3A_19 = vector.broadcast %parallel_loop3A_18 : i32 to vector<16xi32>
      %parallel_loop3A_20 = arith.addi %parallel_loop3A_9, %parallel_loop3A_19 : vector<16xi32>
      %parallel_loop3A_21 = tpu.vector_load_idx %arg8[%parallel_loop3A_20] : memref<4224xf32, #tpu.memory_space<vmem>>[vector<16xi32>], vector<16xf32>,
      %parallel_loop3A_22 = arith.mulf %parallel_loop3A_17, %parallel_loop3A_21 : vector<16xf32>
      %parallel_loop3A_23 = arith.addf %parallel_loop3A_13, %parallel_loop3A_22 : vector<16xf32>
      %parallel_loop3A_24 = arith.constant 1 : i32
      %parallel_loop3A_25 = arith.index_cast %parallel_loop3A_24 : i32 to index
      %parallel_loop3A_26 = arith.index_cast %parallel_loop3A_7 : i32 to index
      %parallel_loop3A_27 = tpu.vector_load %arg7[%parallel_loop3A_25, %parallel_loop3A_26] {strides = array<i32>} : memref<32x1024xf32, #tpu.memory_space<vmem>>, vector<16xf32>,
      %parallel_loop3A_28 = arith.constant 128 : i32
      %parallel_loop3A_29 = vector.broadcast %parallel_loop3A_28 : i32 to vector<16xi32>
      %parallel_loop3A_30 = arith.addi %parallel_loop3A_9, %parallel_loop3A_29 : vector<16xi32>
      %parallel_loop3A_31 = tpu.vector_load_idx %arg8[%parallel_loop3A_30] : memref<4224xf32, #tpu.memory_space<vmem>>[vector<16xi32>], vector<16xf32>,
      %parallel_loop3A_32 = arith.mulf %parallel_loop3A_27, %parallel_loop3A_31 : vector<16xf32>
      %parallel_loop3A_33 = arith.addf %parallel_loop3A_23, %parallel_loop3A_32 : vector<16xf32>
      %parallel_loop3A_34 = arith.constant 2 : i32
      %parallel_loop3A_35 = arith.index_cast %parallel_loop3A_34 : i32 to index
      %parallel_loop3A_36 = arith.index_cast %parallel_loop3A_7 : i32 to index
      %parallel_loop3A_37 = tpu.vector_load %arg7[%parallel_loop3A_35, %parallel_loop3A_36] {strides = array<i32>} : memref<32x1024xf32, #tpu.memory_space<vmem>>, vector<16xf32>,
      %parallel_loop3A_38 = arith.constant 256 : i32
      %parallel_loop3A_39 = vector.broadcast %parallel_loop3A_38 : i32 to vector<16xi32>
      %parallel_loop3A_40 = arith.addi %parallel_loop3A_9, %parallel_loop3A_39 : vector<16xi32>
      %parallel_loop3A_41 = tpu.vector_load_idx %arg8[%parallel_loop3A_40] : memref<4224xf32, #tpu.memory_space<vmem>>[vector<16xi32>], vector<16xf32>,
      %parallel_loop3A_42 = arith.mulf %parallel_loop3A_37, %parallel_loop3A_41 : vector<16xf32>
      %parallel_loop3A_43 = arith.addf %parallel_loop3A_33, %parallel_loop3A_42 : vector<16xf32>
      %parallel_loop3A_44 = arith.constant 3 : i32
      %parallel_loop3A_45 = arith.index_cast %parallel_loop3A_44 : i32 to index
      %parallel_loop3A_46 = arith.index_cast %parallel_loop3A_7 : i32 to index
      %parallel_loop3A_47 = tpu.vector_load %arg7[%parallel_loop3A_45, %parallel_loop3A_46] {strides = array<i32>} : memref<32x1024xf32, #tpu.memory_space<vmem>>, vector<16xf32>,
      %parallel_loop3A_48 = arith.constant 384 : i32
      %parallel_loop3A_49 = vector.broadcast %parallel_loop3A_48 : i32 to vector<16xi32>
      %parallel_loop3A_50 = arith.addi %parallel_loop3A_9, %parallel_loop3A_49 : vector<16xi32>
      %parallel_loop3A_51 = tpu.vector_load_idx %arg8[%parallel_loop3A_50] : memref<4224xf32, #tpu.memory_space<vmem>>[vector<16xi32>], vector<16xf32>,
      %parallel_loop3A_52 = arith.mulf %parallel_loop3A_47, %parallel_loop3A_51 : vector<16xf32>
      %parallel_loop3A_53 = arith.addf %parallel_loop3A_43, %parallel_loop3A_52 : vector<16xf32>
      %parallel_loop3A_54 = arith.constant 4 : i32
      %parallel_loop3A_55 = arith.index_cast %parallel_loop3A_54 : i32 to index
      %parallel_loop3A_56 = arith.index_cast %parallel_loop3A_7 : i32 to index
      %parallel_loop3A_57 = tpu.vector_load %arg7[%parallel_loop3A_55, %parallel_loop3A_56] {strides = array<i32>} : memref<32x1024xf32, #tpu.memory_space<vmem>>, vector<16xf32>,
      %parallel_loop3A_58 = arith.constant 512 : i32
      %parallel_loop3A_59 = vector.broadcast %parallel_loop3A_58 : i32 to vector<16xi32>
      %parallel_loop3A_60 = arith.addi %parallel_loop3A_9, %parallel_loop3A_59 : vector<16xi32>
      %parallel_loop3A_61 = tpu.vector_load_idx %arg8[%parallel_loop3A_60] : memref<4224xf32, #tpu.memory_space<vmem>>[vector<16xi32>], vector<16xf32>,
      %parallel_loop3A_62 = arith.mulf %parallel_loop3A_57, %parallel_loop3A_61 : vector<16xf32>
      %parallel_loop3A_63 = arith.addf %parallel_loop3A_53, %parallel_loop3A_62 : vector<16xf32>
      %parallel_loop3A_64 = arith.constant 5 : i32
      %parallel_loop3A_65 = arith.index_cast %parallel_loop3A_64 : i32 to index
      %parallel_loop3A_66 = arith.index_cast %parallel_loop3A_7 : i32 to index
      %parallel_loop3A_67 = tpu.vector_load %arg7[%parallel_loop3A_65, %parallel_loop3A_66] {strides = array<i32>} : memref<32x1024xf32, #tpu.memory_space<vmem>>, vector<16xf32>,
      %parallel_loop3A_68 = arith.constant 640 : i32
      %parallel_loop3A_69 = vector.broadcast %parallel_loop3A_68 : i32 to vector<16xi32>
      %parallel_loop3A_70 = arith.addi %parallel_loop3A_9, %parallel_loop3A_69 : vector<16xi32>
      %parallel_loop3A_71 = tpu.vector_load_idx %arg8[%parallel_loop3A_70] : memref<4224xf32, #tpu.memory_space<vmem>>[vector<16xi32>], vector<16xf32>,
      %parallel_loop3A_72 = arith.mulf %parallel_loop3A_67, %parallel_loop3A_71 : vector<16xf32>
      %parallel_loop3A_73 = arith.addf %parallel_loop3A_63, %parallel_loop3A_72 : vector<16xf32>
      %parallel_loop3A_74 = arith.constant 6 : i32
      %parallel_loop3A_75 = arith.index_cast %parallel_loop3A_74 : i32 to index
      %parallel_loop3A_76 = arith.index_cast %parallel_loop3A_7 : i32 to index
      %parallel_loop3A_77 = tpu.vector_load %arg7[%parallel_loop3A_75, %parallel_loop3A_76] {strides = array<i32>} : memref<32x1024xf32, #tpu.memory_space<vmem>>, vector<16xf32>,
      %parallel_loop3A_78 = arith.constant 768 : i32
      %parallel_loop3A_79 = vector.broadcast %parallel_loop3A_78 : i32 to vector<16xi32>
      %parallel_loop3A_80 = arith.addi %parallel_loop3A_9, %parallel_loop3A_79 : vector<16xi32>
      %parallel_loop3A_81 = tpu.vector_load_idx %arg8[%parallel_loop3A_80] : memref<4224xf32, #tpu.memory_space<vmem>>[vector<16xi32>], vector<16xf32>,
      %parallel_loop3A_82 = arith.mulf %parallel_loop3A_77, %parallel_loop3A_81 : vector<16xf32>
      %parallel_loop3A_83 = arith.addf %parallel_loop3A_73, %parallel_loop3A_82 : vector<16xf32>
      %parallel_loop3A_84 = arith.constant 7 : i32
      %parallel_loop3A_85 = arith.index_cast %parallel_loop3A_84 : i32 to index
      %parallel_loop3A_86 = arith.index_cast %parallel_loop3A_7 : i32 to index
      %parallel_loop3A_87 = tpu.vector_load %arg7[%parallel_loop3A_85, %parallel_loop3A_86] {strides = array<i32>} : memref<32x1024xf32, #tpu.memory_space<vmem>>, vector<16xf32>,
      %parallel_loop3A_88 = arith.constant 896 : i32
      %parallel_loop3A_89 = vector.broadcast %parallel_loop3A_88 : i32 to vector<16xi32>
      %parallel_loop3A_90 = arith.addi %parallel_loop3A_9, %parallel_loop3A_89 : vector<16xi32>
      %parallel_loop3A_91 = tpu.vector_load_idx %arg8[%parallel_loop3A_90] : memref<4224xf32, #tpu.memory_space<vmem>>[vector<16xi32>], vector<16xf32>,
      %parallel_loop3A_92 = arith.mulf %parallel_loop3A_87, %parallel_loop3A_91 : vector<16xf32>
      %parallel_loop3A_93 = arith.addf %parallel_loop3A_83, %parallel_loop3A_92 : vector<16xf32>
      %parallel_loop3A_94 = arith.constant 8 : i32
      %parallel_loop3A_95 = arith.index_cast %parallel_loop3A_94 : i32 to index
      %parallel_loop3A_96 = arith.index_cast %parallel_loop3A_7 : i32 to index
      %parallel_loop3A_97 = tpu.vector_load %arg7[%parallel_loop3A_95, %parallel_loop3A_96] {strides = array<i32>} : memref<32x1024xf32, #tpu.memory_space<vmem>>, vector<16xf32>,
      %parallel_loop3A_98 = arith.constant 1024 : i32
      %parallel_loop3A_99 = vector.broadcast %parallel_loop3A_98 : i32 to vector<16xi32>
      %parallel_loop3A_100 = arith.addi %parallel_loop3A_9, %parallel_loop3A_99 : vector<16xi32>
      %parallel_loop3A_101 = tpu.vector_load_idx %arg8[%parallel_loop3A_100] : memref<4224xf32, #tpu.memory_space<vmem>>[vector<16xi32>], vector<16xf32>,
      %parallel_loop3A_102 = arith.mulf %parallel_loop3A_97, %parallel_loop3A_101 : vector<16xf32>
      %parallel_loop3A_103 = arith.addf %parallel_loop3A_93, %parallel_loop3A_102 : vector<16xf32>
      %parallel_loop3A_104 = arith.constant 9 : i32
      %parallel_loop3A_105 = arith.index_cast %parallel_loop3A_104 : i32 to index
      %parallel_loop3A_106 = arith.index_cast %parallel_loop3A_7 : i32 to index
      %parallel_loop3A_107 = tpu.vector_load %arg7[%parallel_loop3A_105, %parallel_loop3A_106] {strides = array<i32>} : memref<32x1024xf32, #tpu.memory_space<vmem>>, vector<16xf32>,
      %parallel_loop3A_108 = arith.constant 1152 : i32
      %parallel_loop3A_109 = vector.broadcast %parallel_loop3A_108 : i32 to vector<16xi32>
      %parallel_loop3A_110 = arith.addi %parallel_loop3A_9, %parallel_loop3A_109 : vector<16xi32>
      %parallel_loop3A_111 = tpu.vector_load_idx %arg8[%parallel_loop3A_110] : memref<4224xf32, #tpu.memory_space<vmem>>[vector<16xi32>], vector<16xf32>,
      %parallel_loop3A_112 = arith.mulf %parallel_loop3A_107, %parallel_loop3A_111 : vector<16xf32>
      %parallel_loop3A_113 = arith.addf %parallel_loop3A_103, %parallel_loop3A_112 : vector<16xf32>
      %parallel_loop3A_114 = arith.constant 10 : i32
      %parallel_loop3A_115 = arith.index_cast %parallel_loop3A_114 : i32 to index
      %parallel_loop3A_116 = arith.index_cast %parallel_loop3A_7 : i32 to index
      %parallel_loop3A_117 = tpu.vector_load %arg7[%parallel_loop3A_115, %parallel_loop3A_116] {strides = array<i32>} : memref<32x1024xf32, #tpu.memory_space<vmem>>, vector<16xf32>,
      %parallel_loop3A_118 = arith.constant 1280 : i32
      %parallel_loop3A_119 = vector.broadcast %parallel_loop3A_118 : i32 to vector<16xi32>
      %parallel_loop3A_120 = arith.addi %parallel_loop3A_9, %parallel_loop3A_119 : vector<16xi32>
      %parallel_loop3A_121 = tpu.vector_load_idx %arg8[%parallel_loop3A_120] : memref<4224xf32, #tpu.memory_space<vmem>>[vector<16xi32>], vector<16xf32>,
      %parallel_loop3A_122 = arith.mulf %parallel_loop3A_117, %parallel_loop3A_121 : vector<16xf32>
      %parallel_loop3A_123 = arith.addf %parallel_loop3A_113, %parallel_loop3A_122 : vector<16xf32>
      %parallel_loop3A_124 = arith.constant 11 : i32
      %parallel_loop3A_125 = arith.index_cast %parallel_loop3A_124 : i32 to index
      %parallel_loop3A_126 = arith.index_cast %parallel_loop3A_7 : i32 to index
      %parallel_loop3A_127 = tpu.vector_load %arg7[%parallel_loop3A_125, %parallel_loop3A_126] {strides = array<i32>} : memref<32x1024xf32, #tpu.memory_space<vmem>>, vector<16xf32>,
      %parallel_loop3A_128 = arith.constant 1408 : i32
      %parallel_loop3A_129 = vector.broadcast %parallel_loop3A_128 : i32 to vector<16xi32>
      %parallel_loop3A_130 = arith.addi %parallel_loop3A_9, %parallel_loop3A_129 : vector<16xi32>
      %parallel_loop3A_131 = tpu.vector_load_idx %arg8[%parallel_loop3A_130] : memref<4224xf32, #tpu.memory_space<vmem>>[vector<16xi32>], vector<16xf32>,
      %parallel_loop3A_132 = arith.mulf %parallel_loop3A_127, %parallel_loop3A_131 : vector<16xf32>
      %parallel_loop3A_133 = arith.addf %parallel_loop3A_123, %parallel_loop3A_132 : vector<16xf32>
      %parallel_loop3A_134 = arith.constant 12 : i32
      %parallel_loop3A_135 = arith.index_cast %parallel_loop3A_134 : i32 to index
      %parallel_loop3A_136 = arith.index_cast %parallel_loop3A_7 : i32 to index
      %parallel_loop3A_137 = tpu.vector_load %arg7[%parallel_loop3A_135, %parallel_loop3A_136] {strides = array<i32>} : memref<32x1024xf32, #tpu.memory_space<vmem>>, vector<16xf32>,
      %parallel_loop3A_138 = arith.constant 1536 : i32
      %parallel_loop3A_139 = vector.broadcast %parallel_loop3A_138 : i32 to vector<16xi32>
      %parallel_loop3A_140 = arith.addi %parallel_loop3A_9, %parallel_loop3A_139 : vector<16xi32>
      %parallel_loop3A_141 = tpu.vector_load_idx %arg8[%parallel_loop3A_140] : memref<4224xf32, #tpu.memory_space<vmem>>[vector<16xi32>], vector<16xf32>,
      %parallel_loop3A_142 = arith.mulf %parallel_loop3A_137, %parallel_loop3A_141 : vector<16xf32>
      %parallel_loop3A_143 = arith.addf %parallel_loop3A_133, %parallel_loop3A_142 : vector<16xf32>
      %parallel_loop3A_144 = arith.constant 13 : i32
      %parallel_loop3A_145 = arith.index_cast %parallel_loop3A_144 : i32 to index
      %parallel_loop3A_146 = arith.index_cast %parallel_loop3A_7 : i32 to index
      %parallel_loop3A_147 = tpu.vector_load %arg7[%parallel_loop3A_145, %parallel_loop3A_146] {strides = array<i32>} : memref<32x1024xf32, #tpu.memory_space<vmem>>, vector<16xf32>,
      %parallel_loop3A_148 = arith.constant 1664 : i32
      %parallel_loop3A_149 = vector.broadcast %parallel_loop3A_148 : i32 to vector<16xi32>
      %parallel_loop3A_150 = arith.addi %parallel_loop3A_9, %parallel_loop3A_149 : vector<16xi32>
      %parallel_loop3A_151 = tpu.vector_load_idx %arg8[%parallel_loop3A_150] : memref<4224xf32, #tpu.memory_space<vmem>>[vector<16xi32>], vector<16xf32>,
      %parallel_loop3A_152 = arith.mulf %parallel_loop3A_147, %parallel_loop3A_151 : vector<16xf32>
      %parallel_loop3A_153 = arith.addf %parallel_loop3A_143, %parallel_loop3A_152 : vector<16xf32>
      %parallel_loop3A_154 = arith.constant 14 : i32
      %parallel_loop3A_155 = arith.index_cast %parallel_loop3A_154 : i32 to index
      %parallel_loop3A_156 = arith.index_cast %parallel_loop3A_7 : i32 to index
      %parallel_loop3A_157 = tpu.vector_load %arg7[%parallel_loop3A_155, %parallel_loop3A_156] {strides = array<i32>} : memref<32x1024xf32, #tpu.memory_space<vmem>>, vector<16xf32>,
      %parallel_loop3A_158 = arith.constant 1792 : i32
      %parallel_loop3A_159 = vector.broadcast %parallel_loop3A_158 : i32 to vector<16xi32>
      %parallel_loop3A_160 = arith.addi %parallel_loop3A_9, %parallel_loop3A_159 : vector<16xi32>
      %parallel_loop3A_161 = tpu.vector_load_idx %arg8[%parallel_loop3A_160] : memref<4224xf32, #tpu.memory_space<vmem>>[vector<16xi32>], vector<16xf32>,
      %parallel_loop3A_162 = arith.mulf %parallel_loop3A_157, %parallel_loop3A_161 : vector<16xf32>
      %parallel_loop3A_163 = arith.addf %parallel_loop3A_153, %parallel_loop3A_162 : vector<16xf32>
      %parallel_loop3A_164 = arith.constant 15 : i32
      %parallel_loop3A_165 = arith.index_cast %parallel_loop3A_164 : i32 to index
      %parallel_loop3A_166 = arith.index_cast %parallel_loop3A_7 : i32 to index
      %parallel_loop3A_167 = tpu.vector_load %arg7[%parallel_loop3A_165, %parallel_loop3A_166] {strides = array<i32>} : memref<32x1024xf32, #tpu.memory_space<vmem>>, vector<16xf32>,
      %parallel_loop3A_168 = arith.constant 1920 : i32
      %parallel_loop3A_169 = vector.broadcast %parallel_loop3A_168 : i32 to vector<16xi32>
      %parallel_loop3A_170 = arith.addi %parallel_loop3A_9, %parallel_loop3A_169 : vector<16xi32>
      %parallel_loop3A_171 = tpu.vector_load_idx %arg8[%parallel_loop3A_170] : memref<4224xf32, #tpu.memory_space<vmem>>[vector<16xi32>], vector<16xf32>,
      %parallel_loop3A_172 = arith.mulf %parallel_loop3A_167, %parallel_loop3A_171 : vector<16xf32>
      %parallel_loop3A_173 = arith.addf %parallel_loop3A_163, %parallel_loop3A_172 : vector<16xf32>
      %parallel_loop3A_174 = arith.constant 16 : i32
      %parallel_loop3A_175 = arith.index_cast %parallel_loop3A_174 : i32 to index
      %parallel_loop3A_176 = arith.index_cast %parallel_loop3A_7 : i32 to index
      %parallel_loop3A_177 = tpu.vector_load %arg7[%parallel_loop3A_175, %parallel_loop3A_176] {strides = array<i32>} : memref<32x1024xf32, #tpu.memory_space<vmem>>, vector<16xf32>,
      %parallel_loop3A_178 = arith.constant 2048 : i32
      %parallel_loop3A_179 = vector.broadcast %parallel_loop3A_178 : i32 to vector<16xi32>
      %parallel_loop3A_180 = arith.addi %parallel_loop3A_9, %parallel_loop3A_179 : vector<16xi32>
      %parallel_loop3A_181 = tpu.vector_load_idx %arg8[%parallel_loop3A_180] : memref<4224xf32, #tpu.memory_space<vmem>>[vector<16xi32>], vector<16xf32>,
      %parallel_loop3A_182 = arith.mulf %parallel_loop3A_177, %parallel_loop3A_181 : vector<16xf32>
      %parallel_loop3A_183 = arith.addf %parallel_loop3A_173, %parallel_loop3A_182 : vector<16xf32>
      %parallel_loop3A_184 = arith.constant 17 : i32
      %parallel_loop3A_185 = arith.index_cast %parallel_loop3A_184 : i32 to index
      %parallel_loop3A_186 = arith.index_cast %parallel_loop3A_7 : i32 to index
      %parallel_loop3A_187 = tpu.vector_load %arg7[%parallel_loop3A_185, %parallel_loop3A_186] {strides = array<i32>} : memref<32x1024xf32, #tpu.memory_space<vmem>>, vector<16xf32>,
      %parallel_loop3A_188 = arith.constant 2176 : i32
      %parallel_loop3A_189 = vector.broadcast %parallel_loop3A_188 : i32 to vector<16xi32>
      %parallel_loop3A_190 = arith.addi %parallel_loop3A_9, %parallel_loop3A_189 : vector<16xi32>
      %parallel_loop3A_191 = tpu.vector_load_idx %arg8[%parallel_loop3A_190] : memref<4224xf32, #tpu.memory_space<vmem>>[vector<16xi32>], vector<16xf32>,
      %parallel_loop3A_192 = arith.mulf %parallel_loop3A_187, %parallel_loop3A_191 : vector<16xf32>
      %parallel_loop3A_193 = arith.addf %parallel_loop3A_183, %parallel_loop3A_192 : vector<16xf32>
      %parallel_loop3A_194 = arith.constant 18 : i32
      %parallel_loop3A_195 = arith.index_cast %parallel_loop3A_194 : i32 to index
      %parallel_loop3A_196 = arith.index_cast %parallel_loop3A_7 : i32 to index
      %parallel_loop3A_197 = tpu.vector_load %arg7[%parallel_loop3A_195, %parallel_loop3A_196] {strides = array<i32>} : memref<32x1024xf32, #tpu.memory_space<vmem>>, vector<16xf32>,
      %parallel_loop3A_198 = arith.constant 2304 : i32
      %parallel_loop3A_199 = vector.broadcast %parallel_loop3A_198 : i32 to vector<16xi32>
      %parallel_loop3A_200 = arith.addi %parallel_loop3A_9, %parallel_loop3A_199 : vector<16xi32>
      %parallel_loop3A_201 = tpu.vector_load_idx %arg8[%parallel_loop3A_200] : memref<4224xf32, #tpu.memory_space<vmem>>[vector<16xi32>], vector<16xf32>,
      %parallel_loop3A_202 = arith.mulf %parallel_loop3A_197, %parallel_loop3A_201 : vector<16xf32>
      %parallel_loop3A_203 = arith.addf %parallel_loop3A_193, %parallel_loop3A_202 : vector<16xf32>
      %parallel_loop3A_204 = arith.constant 19 : i32
      %parallel_loop3A_205 = arith.index_cast %parallel_loop3A_204 : i32 to index
      %parallel_loop3A_206 = arith.index_cast %parallel_loop3A_7 : i32 to index
      %parallel_loop3A_207 = tpu.vector_load %arg7[%parallel_loop3A_205, %parallel_loop3A_206] {strides = array<i32>} : memref<32x1024xf32, #tpu.memory_space<vmem>>, vector<16xf32>,
      %parallel_loop3A_208 = arith.constant 2432 : i32
      %parallel_loop3A_209 = vector.broadcast %parallel_loop3A_208 : i32 to vector<16xi32>
      %parallel_loop3A_210 = arith.addi %parallel_loop3A_9, %parallel_loop3A_209 : vector<16xi32>
      %parallel_loop3A_211 = tpu.vector_load_idx %arg8[%parallel_loop3A_210] : memref<4224xf32, #tpu.memory_space<vmem>>[vector<16xi32>], vector<16xf32>,
      %parallel_loop3A_212 = arith.mulf %parallel_loop3A_207, %parallel_loop3A_211 : vector<16xf32>
      %parallel_loop3A_213 = arith.addf %parallel_loop3A_203, %parallel_loop3A_212 : vector<16xf32>
      %parallel_loop3A_214 = arith.constant 20 : i32
      %parallel_loop3A_215 = arith.index_cast %parallel_loop3A_214 : i32 to index
      %parallel_loop3A_216 = arith.index_cast %parallel_loop3A_7 : i32 to index
      %parallel_loop3A_217 = tpu.vector_load %arg7[%parallel_loop3A_215, %parallel_loop3A_216] {strides = array<i32>} : memref<32x1024xf32, #tpu.memory_space<vmem>>, vector<16xf32>,
      %parallel_loop3A_218 = arith.constant 2560 : i32
      %parallel_loop3A_219 = vector.broadcast %parallel_loop3A_218 : i32 to vector<16xi32>
      %parallel_loop3A_220 = arith.addi %parallel_loop3A_9, %parallel_loop3A_219 : vector<16xi32>
      %parallel_loop3A_221 = tpu.vector_load_idx %arg8[%parallel_loop3A_220] : memref<4224xf32, #tpu.memory_space<vmem>>[vector<16xi32>], vector<16xf32>,
      %parallel_loop3A_222 = arith.mulf %parallel_loop3A_217, %parallel_loop3A_221 : vector<16xf32>
      %parallel_loop3A_223 = arith.addf %parallel_loop3A_213, %parallel_loop3A_222 : vector<16xf32>
      %parallel_loop3A_224 = arith.constant 21 : i32
      %parallel_loop3A_225 = arith.index_cast %parallel_loop3A_224 : i32 to index
      %parallel_loop3A_226 = arith.index_cast %parallel_loop3A_7 : i32 to index
      %parallel_loop3A_227 = tpu.vector_load %arg7[%parallel_loop3A_225, %parallel_loop3A_226] {strides = array<i32>} : memref<32x1024xf32, #tpu.memory_space<vmem>>, vector<16xf32>,
      %parallel_loop3A_228 = arith.constant 2688 : i32
      %parallel_loop3A_229 = vector.broadcast %parallel_loop3A_228 : i32 to vector<16xi32>
      %parallel_loop3A_230 = arith.addi %parallel_loop3A_9, %parallel_loop3A_229 : vector<16xi32>
      %parallel_loop3A_231 = tpu.vector_load_idx %arg8[%parallel_loop3A_230] : memref<4224xf32, #tpu.memory_space<vmem>>[vector<16xi32>], vector<16xf32>,
      %parallel_loop3A_232 = arith.mulf %parallel_loop3A_227, %parallel_loop3A_231 : vector<16xf32>
      %parallel_loop3A_233 = arith.addf %parallel_loop3A_223, %parallel_loop3A_232 : vector<16xf32>
      %parallel_loop3A_234 = arith.constant 22 : i32
      %parallel_loop3A_235 = arith.index_cast %parallel_loop3A_234 : i32 to index
      %parallel_loop3A_236 = arith.index_cast %parallel_loop3A_7 : i32 to index
      %parallel_loop3A_237 = tpu.vector_load %arg7[%parallel_loop3A_235, %parallel_loop3A_236] {strides = array<i32>} : memref<32x1024xf32, #tpu.memory_space<vmem>>, vector<16xf32>,
      %parallel_loop3A_238 = arith.constant 2816 : i32
      %parallel_loop3A_239 = vector.broadcast %parallel_loop3A_238 : i32 to vector<16xi32>
      %parallel_loop3A_240 = arith.addi %parallel_loop3A_9, %parallel_loop3A_239 : vector<16xi32>
      %parallel_loop3A_241 = tpu.vector_load_idx %arg8[%parallel_loop3A_240] : memref<4224xf32, #tpu.memory_space<vmem>>[vector<16xi32>], vector<16xf32>,
      %parallel_loop3A_242 = arith.mulf %parallel_loop3A_237, %parallel_loop3A_241 : vector<16xf32>
      %parallel_loop3A_243 = arith.addf %parallel_loop3A_233, %parallel_loop3A_242 : vector<16xf32>
      %parallel_loop3A_244 = arith.constant 23 : i32
      %parallel_loop3A_245 = arith.index_cast %parallel_loop3A_244 : i32 to index
      %parallel_loop3A_246 = arith.index_cast %parallel_loop3A_7 : i32 to index
      %parallel_loop3A_247 = tpu.vector_load %arg7[%parallel_loop3A_245, %parallel_loop3A_246] {strides = array<i32>} : memref<32x1024xf32, #tpu.memory_space<vmem>>, vector<16xf32>,
      %parallel_loop3A_248 = arith.constant 2944 : i32
      %parallel_loop3A_249 = vector.broadcast %parallel_loop3A_248 : i32 to vector<16xi32>
      %parallel_loop3A_250 = arith.addi %parallel_loop3A_9, %parallel_loop3A_249 : vector<16xi32>
      %parallel_loop3A_251 = tpu.vector_load_idx %arg8[%parallel_loop3A_250] : memref<4224xf32, #tpu.memory_space<vmem>>[vector<16xi32>], vector<16xf32>,
      %parallel_loop3A_252 = arith.mulf %parallel_loop3A_247, %parallel_loop3A_251 : vector<16xf32>
      %parallel_loop3A_253 = arith.addf %parallel_loop3A_243, %parallel_loop3A_252 : vector<16xf32>
      %parallel_loop3A_254 = arith.constant 24 : i32
      %parallel_loop3A_255 = arith.index_cast %parallel_loop3A_254 : i32 to index
      %parallel_loop3A_256 = arith.index_cast %parallel_loop3A_7 : i32 to index
      %parallel_loop3A_257 = tpu.vector_load %arg7[%parallel_loop3A_255, %parallel_loop3A_256] {strides = array<i32>} : memref<32x1024xf32, #tpu.memory_space<vmem>>, vector<16xf32>,
      %parallel_loop3A_258 = arith.constant 3072 : i32
      %parallel_loop3A_259 = vector.broadcast %parallel_loop3A_258 : i32 to vector<16xi32>
      %parallel_loop3A_260 = arith.addi %parallel_loop3A_9, %parallel_loop3A_259 : vector<16xi32>
      %parallel_loop3A_261 = tpu.vector_load_idx %arg8[%parallel_loop3A_260] : memref<4224xf32, #tpu.memory_space<vmem>>[vector<16xi32>], vector<16xf32>,
      %parallel_loop3A_262 = arith.mulf %parallel_loop3A_257, %parallel_loop3A_261 : vector<16xf32>
      %parallel_loop3A_263 = arith.addf %parallel_loop3A_253, %parallel_loop3A_262 : vector<16xf32>
      %parallel_loop3A_264 = arith.constant 25 : i32
      %parallel_loop3A_265 = arith.index_cast %parallel_loop3A_264 : i32 to index
      %parallel_loop3A_266 = arith.index_cast %parallel_loop3A_7 : i32 to index
      %parallel_loop3A_267 = tpu.vector_load %arg7[%parallel_loop3A_265, %parallel_loop3A_266] {strides = array<i32>} : memref<32x1024xf32, #tpu.memory_space<vmem>>, vector<16xf32>,
      %parallel_loop3A_268 = arith.constant 3200 : i32
      %parallel_loop3A_269 = vector.broadcast %parallel_loop3A_268 : i32 to vector<16xi32>
      %parallel_loop3A_270 = arith.addi %parallel_loop3A_9, %parallel_loop3A_269 : vector<16xi32>
      %parallel_loop3A_271 = tpu.vector_load_idx %arg8[%parallel_loop3A_270] : memref<4224xf32, #tpu.memory_space<vmem>>[vector<16xi32>], vector<16xf32>,
      %parallel_loop3A_272 = arith.mulf %parallel_loop3A_267, %parallel_loop3A_271 : vector<16xf32>
      %parallel_loop3A_273 = arith.addf %parallel_loop3A_263, %parallel_loop3A_272 : vector<16xf32>
      %parallel_loop3A_274 = arith.constant 26 : i32
      %parallel_loop3A_275 = arith.index_cast %parallel_loop3A_274 : i32 to index
      %parallel_loop3A_276 = arith.index_cast %parallel_loop3A_7 : i32 to index
      %parallel_loop3A_277 = tpu.vector_load %arg7[%parallel_loop3A_275, %parallel_loop3A_276] {strides = array<i32>} : memref<32x1024xf32, #tpu.memory_space<vmem>>, vector<16xf32>,
      %parallel_loop3A_278 = arith.constant 3328 : i32
      %parallel_loop3A_279 = vector.broadcast %parallel_loop3A_278 : i32 to vector<16xi32>
      %parallel_loop3A_280 = arith.addi %parallel_loop3A_9, %parallel_loop3A_279 : vector<16xi32>
      %parallel_loop3A_281 = tpu.vector_load_idx %arg8[%parallel_loop3A_280] : memref<4224xf32, #tpu.memory_space<vmem>>[vector<16xi32>], vector<16xf32>,
      %parallel_loop3A_282 = arith.mulf %parallel_loop3A_277, %parallel_loop3A_281 : vector<16xf32>
      %parallel_loop3A_283 = arith.addf %parallel_loop3A_273, %parallel_loop3A_282 : vector<16xf32>
      %parallel_loop3A_284 = arith.constant 27 : i32
      %parallel_loop3A_285 = arith.index_cast %parallel_loop3A_284 : i32 to index
      %parallel_loop3A_286 = arith.index_cast %parallel_loop3A_7 : i32 to index
      %parallel_loop3A_287 = tpu.vector_load %arg7[%parallel_loop3A_285, %parallel_loop3A_286] {strides = array<i32>} : memref<32x1024xf32, #tpu.memory_space<vmem>>, vector<16xf32>,
      %parallel_loop3A_288 = arith.constant 3456 : i32
      %parallel_loop3A_289 = vector.broadcast %parallel_loop3A_288 : i32 to vector<16xi32>
      %parallel_loop3A_290 = arith.addi %parallel_loop3A_9, %parallel_loop3A_289 : vector<16xi32>
      %parallel_loop3A_291 = tpu.vector_load_idx %arg8[%parallel_loop3A_290] : memref<4224xf32, #tpu.memory_space<vmem>>[vector<16xi32>], vector<16xf32>,
      %parallel_loop3A_292 = arith.mulf %parallel_loop3A_287, %parallel_loop3A_291 : vector<16xf32>
      %parallel_loop3A_293 = arith.addf %parallel_loop3A_283, %parallel_loop3A_292 : vector<16xf32>
      %parallel_loop3A_294 = arith.constant 28 : i32
      %parallel_loop3A_295 = arith.index_cast %parallel_loop3A_294 : i32 to index
      %parallel_loop3A_296 = arith.index_cast %parallel_loop3A_7 : i32 to index
      %parallel_loop3A_297 = tpu.vector_load %arg7[%parallel_loop3A_295, %parallel_loop3A_296] {strides = array<i32>} : memref<32x1024xf32, #tpu.memory_space<vmem>>, vector<16xf32>,
      %parallel_loop3A_298 = arith.constant 3584 : i32
      %parallel_loop3A_299 = vector.broadcast %parallel_loop3A_298 : i32 to vector<16xi32>
      %parallel_loop3A_300 = arith.addi %parallel_loop3A_9, %parallel_loop3A_299 : vector<16xi32>
      %parallel_loop3A_301 = tpu.vector_load_idx %arg8[%parallel_loop3A_300] : memref<4224xf32, #tpu.memory_space<vmem>>[vector<16xi32>], vector<16xf32>,
      %parallel_loop3A_302 = arith.mulf %parallel_loop3A_297, %parallel_loop3A_301 : vector<16xf32>
      %parallel_loop3A_303 = arith.addf %parallel_loop3A_293, %parallel_loop3A_302 : vector<16xf32>
      %parallel_loop3A_304 = arith.constant 29 : i32
      %parallel_loop3A_305 = arith.index_cast %parallel_loop3A_304 : i32 to index
      %parallel_loop3A_306 = arith.index_cast %parallel_loop3A_7 : i32 to index
      %parallel_loop3A_307 = tpu.vector_load %arg7[%parallel_loop3A_305, %parallel_loop3A_306] {strides = array<i32>} : memref<32x1024xf32, #tpu.memory_space<vmem>>, vector<16xf32>,
      %parallel_loop3A_308 = arith.constant 3712 : i32
      %parallel_loop3A_309 = vector.broadcast %parallel_loop3A_308 : i32 to vector<16xi32>
      %parallel_loop3A_310 = arith.addi %parallel_loop3A_9, %parallel_loop3A_309 : vector<16xi32>
      %parallel_loop3A_311 = tpu.vector_load_idx %arg8[%parallel_loop3A_310] : memref<4224xf32, #tpu.memory_space<vmem>>[vector<16xi32>], vector<16xf32>,
      %parallel_loop3A_312 = arith.mulf %parallel_loop3A_307, %parallel_loop3A_311 : vector<16xf32>
      %parallel_loop3A_313 = arith.addf %parallel_loop3A_303, %parallel_loop3A_312 : vector<16xf32>
      %parallel_loop3A_314 = arith.constant 30 : i32
      %parallel_loop3A_315 = arith.index_cast %parallel_loop3A_314 : i32 to index
      %parallel_loop3A_316 = arith.index_cast %parallel_loop3A_7 : i32 to index
      %parallel_loop3A_317 = tpu.vector_load %arg7[%parallel_loop3A_315, %parallel_loop3A_316] {strides = array<i32>} : memref<32x1024xf32, #tpu.memory_space<vmem>>, vector<16xf32>,
      %parallel_loop3A_318 = arith.constant 3840 : i32
      %parallel_loop3A_319 = vector.broadcast %parallel_loop3A_318 : i32 to vector<16xi32>
      %parallel_loop3A_320 = arith.addi %parallel_loop3A_9, %parallel_loop3A_319 : vector<16xi32>
      %parallel_loop3A_321 = tpu.vector_load_idx %arg8[%parallel_loop3A_320] : memref<4224xf32, #tpu.memory_space<vmem>>[vector<16xi32>], vector<16xf32>,
      %parallel_loop3A_322 = arith.mulf %parallel_loop3A_317, %parallel_loop3A_321 : vector<16xf32>
      %parallel_loop3A_323 = arith.addf %parallel_loop3A_313, %parallel_loop3A_322 : vector<16xf32>
      %parallel_loop3A_324 = arith.constant 31 : i32
      %parallel_loop3A_325 = arith.index_cast %parallel_loop3A_324 : i32 to index
      %parallel_loop3A_326 = arith.index_cast %parallel_loop3A_7 : i32 to index
      %parallel_loop3A_327 = tpu.vector_load %arg7[%parallel_loop3A_325, %parallel_loop3A_326] {strides = array<i32>} : memref<32x1024xf32, #tpu.memory_space<vmem>>, vector<16xf32>,
      %parallel_loop3A_328 = arith.constant 3968 : i32
      %parallel_loop3A_329 = vector.broadcast %parallel_loop3A_328 : i32 to vector<16xi32>
      %parallel_loop3A_330 = arith.addi %parallel_loop3A_9, %parallel_loop3A_329 : vector<16xi32>
      %parallel_loop3A_331 = tpu.vector_load_idx %arg8[%parallel_loop3A_330] : memref<4224xf32, #tpu.memory_space<vmem>>[vector<16xi32>], vector<16xf32>,
      %parallel_loop3A_332 = arith.mulf %parallel_loop3A_327, %parallel_loop3A_331 : vector<16xf32>
      %parallel_loop3A_333 = arith.addf %parallel_loop3A_323, %parallel_loop3A_332 : vector<16xf32>
      %parallel_loop3A_334 = arith.sitofp %parallel_loop3A_9 : vector<16xi32> to vector<16xf32>
      %parallel_loop3A_335 = arith.addf %parallel_loop3A_334, %parallel_loop3A_333 : vector<16xf32>
      %parallel_loop3A_336 = arith.constant 7.812500e-03 : f32
      %parallel_loop3A_337 = vector.broadcast %parallel_loop3A_336 : f32 to vector<16xf32>
      %parallel_loop3A_338 = arith.mulf %parallel_loop3A_335, %parallel_loop3A_337 : vector<16xf32>
      %parallel_loop3A_339 = arith.index_cast %parallel_loop3A_7 : i32 to index
      %parallel_loop3A_340 = tpu.vector_load %arg9[%parallel_loop3A_339] {strides = array<i32>} : memref<1024xf32, #tpu.memory_space<vmem>>, vector<16xf32>,
      tpu.vector_store %arg9[%parallel_loop3A_339], %parallel_loop3A_338 {strides = array<i32>} : memref<1024xf32, #tpu.memory_space<vmem>>, vector<16xf32>,
    } {sc.loop_unroll_factor = 2 : i64, sc.parallel_access}
    "tpu.region"() ({
      %run_scoped3A_5 = tpu.sem_alloc : memref<!tpu.dma_semaphore, #tpu.memory_space<semaphore_mem>>
      %dma_start3A = tpu.memref_slice %arg5[%mul3A_2] : memref<32768xf32, #tpu.memory_space<hbm>> -> memref<1024xf32, #tpu.memory_space<hbm>>
      %dma_start3A_6 = tpu.memref_slice %arg5[%mul3A_2] : memref<32768xf32, #tpu.memory_space<hbm>> -> memref<1024xf32, #tpu.memory_space<hbm>>
      tpu.enqueue_dma source(%arg9 : memref<1024xf32, #tpu.memory_space<vmem>>) target(%dma_start3A_6 : memref<1024xf32, #tpu.memory_space<hbm>>) target_semaphore(%run_scoped3A_5 : memref<!tpu.dma_semaphore, #tpu.memory_space<semaphore_mem>>)
      %dma_wait3A = tpu.memref_slice %arg5[%mul3A_2] : memref<32768xf32, #tpu.memory_space<hbm>> -> memref<1024xf32, #tpu.memory_space<hbm>>
      %dma_wait3A_7 = tpu.memref_slice %arg5[%mul3A_2] : memref<32768xf32, #tpu.memory_space<hbm>> -> memref<1024xf32, #tpu.memory_space<hbm>>
      tpu.wait_dma2 semaphore(%run_scoped3A_5 : memref<!tpu.dma_semaphore, #tpu.memory_space<semaphore_mem>>) src(%arg9 : memref<1024xf32, #tpu.memory_space<vmem>>) dst(%dma_wait3A_7 : memref<1024xf32, #tpu.memory_space<hbm>>)
      tpu.yield
    }) : () -> ()
    return
  }
}

module attributes {stable_mosaic.version = 14 : i64} {
  func.func @_tc_body(%arg0: i32, %arg1: i32, %arg2: memref<1x128x1x2048xf32, #tpu.memory_space<vmem>>, %arg3: memref<128x128xf32, #tpu.memory_space<vmem>>, %arg4: memref<128xf32, #tpu.memory_space<vmem>>, %arg5: memref<128x128xf32, #tpu.memory_space<vmem>>, %arg6: memref<128xf32, #tpu.memory_space<vmem>>, %arg7: memref<129x128xf32, #tpu.memory_space<vmem>>, %arg8: memref<129xf32, #tpu.memory_space<vmem>>, %arg9: memref<128x128xf32, #tpu.memory_space<vmem>>, %arg10: memref<128xf32, #tpu.memory_space<vmem>>, %arg11: memref<256x128xf32, #tpu.memory_space<vmem>>, %arg12: memref<256x128xf32, #tpu.memory_space<vmem>>, %arg13: memref<32x8xf32, #tpu.memory_space<vmem>>, %arg14: memref<32x2048xf32, #tpu.memory_space<vmem>>, %arg15: memref<1x2048xi32, #tpu.memory_space<vmem>>, %arg16: memref<1x1x1x2048xf32, #tpu.memory_space<vmem>>) attributes {dimension_semantics = [#tpu.dimension_semantics<arbitrary>, #tpu.dimension_semantics<arbitrary>], iteration_bounds = array<i64: 4, 4>, scalar_prefetch = 0 : i64, scratch_operands = 0 : i64, tpu.core_type = #tpu.core_type<tc>, window_params = [{transform_indices = @transform_0, window_bounds = array<i64: 1, 128, 1, 2048>}, {pipeline_mode = #tpu.pipeline_mode<synchronous>, transform_indices = @transform_1, window_bounds = array<i64: 128, 128>}, {pipeline_mode = #tpu.pipeline_mode<synchronous>, transform_indices = @transform_2, window_bounds = array<i64: 128>}, {pipeline_mode = #tpu.pipeline_mode<synchronous>, transform_indices = @transform_3, window_bounds = array<i64: 128, 128>}, {pipeline_mode = #tpu.pipeline_mode<synchronous>, transform_indices = @transform_4, window_bounds = array<i64: 128>}, {pipeline_mode = #tpu.pipeline_mode<synchronous>, transform_indices = @transform_5, window_bounds = array<i64: 129, 128>}, {pipeline_mode = #tpu.pipeline_mode<synchronous>, transform_indices = @transform_6, window_bounds = array<i64: 129>}, {pipeline_mode = #tpu.pipeline_mode<synchronous>, transform_indices = @transform_7, window_bounds = array<i64: 128, 128>}, {pipeline_mode = #tpu.pipeline_mode<synchronous>, transform_indices = @transform_8, window_bounds = array<i64: 128>}, {pipeline_mode = #tpu.pipeline_mode<synchronous>, transform_indices = @transform_9, window_bounds = array<i64: 256, 128>}, {pipeline_mode = #tpu.pipeline_mode<synchronous>, transform_indices = @transform_10, window_bounds = array<i64: 256, 128>}, {pipeline_mode = #tpu.pipeline_mode<synchronous>, transform_indices = @transform_11, window_bounds = array<i64: 32, 8>}, {transform_indices = @transform_12, window_bounds = array<i64: 32, 2048>}, {transform_indices = @transform_13, window_bounds = array<i64: 1, 2048>}, {transform_indices = @transform_14, window_bounds = array<i64: 1, 1, 1, 2048>}]} {
    %get3A = arith.constant 0 : index
    %get3A_0 = arith.constant 0 : index
    %get3A_1 = arith.constant 0 : index
    %get3A_2 = arith.constant 0 : index
    %get3A_3 = vector.load %arg2[%get3A, %get3A_0, %get3A_1, %get3A_2] : memref<1x128x1x2048xf32, #tpu.memory_space<vmem>>, vector<1x128x1x2048xf32>
    %get3A_4 = vector.shape_cast %get3A_3 : vector<1x128x1x2048xf32> to vector<128x2048xf32>
    %get3A_5 = arith.constant 0 : index
    %get3A_6 = arith.constant 0 : index
    %get3A_7 = vector.load %arg3[%get3A_5, %get3A_6] : memref<128x128xf32, #tpu.memory_space<vmem>>, vector<128x128xf32>
    %dot_general3A = arith.constant dense<0.000000e+00> : vector<128x2048xf32>
    %dot_general3A_8 = tpu.matmul %get3A_7, %get3A_4, %dot_general3A {dimension_numbers = #tpu.dot_dimension_numbers<[1], [0], [0], [1], [0, 0, 1, 1], [], []>, transpose_lhs_hint = false} : vector<128x128xf32>, vector<128x2048xf32>, vector<128x2048xf32> -> vector<128x2048xf32>
    %get3A_9 = arith.constant 0 : index
    %get3A_10 = vector.load %arg4[%get3A_9] : memref<128xf32, #tpu.memory_space<vmem>>, vector<128xf32>
    %reshape3A = vector.shape_cast %get3A_10 : vector<128xf32> to vector<128x1xf32>
    %add3A = vector.broadcast %reshape3A : vector<128x1xf32> to vector<128x2048xf32>
    %add3A_11 = arith.addf %dot_general3A_8, %add3A : vector<128x2048xf32>
    %mul3A = arith.constant 0.00999999977 : f32
    %mul3A_12 = vector.broadcast %mul3A : f32 to vector<128x2048xf32>
    %mul3A_13 = arith.mulf %mul3A_12, %add3A_11 : vector<128x2048xf32>
    %max3A = arith.maximumf %add3A_11, %mul3A_13 : vector<128x2048xf32>
    %get3A_14 = arith.constant 0 : index
    %get3A_15 = arith.constant 0 : index
    %get3A_16 = vector.load %arg5[%get3A_14, %get3A_15] : memref<128x128xf32, #tpu.memory_space<vmem>>, vector<128x128xf32>
    %dot_general3A_17 = arith.constant dense<0.000000e+00> : vector<128x2048xf32>
    %dot_general3A_18 = tpu.matmul %get3A_16, %max3A, %dot_general3A_17 {dimension_numbers = #tpu.dot_dimension_numbers<[1], [0], [0], [1], [0, 0, 1, 1], [], []>, transpose_lhs_hint = false} : vector<128x128xf32>, vector<128x2048xf32>, vector<128x2048xf32> -> vector<128x2048xf32>
    %get3A_19 = arith.constant 0 : index
    %get3A_20 = vector.load %arg6[%get3A_19] : memref<128xf32, #tpu.memory_space<vmem>>, vector<128xf32>
    %reshape3A_21 = vector.shape_cast %get3A_20 : vector<128xf32> to vector<128x1xf32>
    %add3A_22 = vector.broadcast %reshape3A_21 : vector<128x1xf32> to vector<128x2048xf32>
    %add3A_23 = arith.addf %dot_general3A_18, %add3A_22 : vector<128x2048xf32>
    %mul3A_24 = arith.constant 0.00999999977 : f32
    %mul3A_25 = vector.broadcast %mul3A_24 : f32 to vector<128x2048xf32>
    %mul3A_26 = arith.mulf %mul3A_25, %add3A_23 : vector<128x2048xf32>
    %max3A_27 = arith.maximumf %add3A_23, %mul3A_26 : vector<128x2048xf32>
    %get3A_28 = arith.constant 0 : index
    %get3A_29 = arith.constant 0 : index
    %get3A_30 = vector.load %arg7[%get3A_28, %get3A_29] : memref<129x128xf32, #tpu.memory_space<vmem>>, vector<129x128xf32>
    %dot_general3A_31 = arith.constant dense<0.000000e+00> : vector<129x2048xf32>
    %dot_general3A_32 = tpu.matmul %get3A_30, %max3A_27, %dot_general3A_31 {dimension_numbers = #tpu.dot_dimension_numbers<[1], [0], [0], [1], [0, 0, 1, 1], [], []>, transpose_lhs_hint = false} : vector<129x128xf32>, vector<128x2048xf32>, vector<129x2048xf32> -> vector<129x2048xf32>
    %get3A_33 = arith.constant 0 : index
    %get3A_34 = vector.load %arg8[%get3A_33] : memref<129xf32, #tpu.memory_space<vmem>>, vector<129xf32>
    %reshape3A_35 = vector.shape_cast %get3A_34 : vector<129xf32> to vector<129x1xf32>
    %add3A_36 = vector.broadcast %reshape3A_35 : vector<129x1xf32> to vector<129x2048xf32>
    %add3A_37 = arith.addf %dot_general3A_32, %add3A_36 : vector<129x2048xf32>
    %slice3A = vector.extract_strided_slice %add3A_37 {offsets = [128, 0], sizes = [1, 2048], strides = [1, 1]} : vector<129x2048xf32> to vector<1x2048xf32>
    %squeeze3A = vector.shape_cast %slice3A : vector<1x2048xf32> to vector<2048xf32>
    %mul3A_38 = arith.constant 0.00999999977 : f32
    %mul3A_39 = vector.broadcast %mul3A_38 : f32 to vector<2048xf32>
    %mul3A_40 = arith.mulf %mul3A_39, %squeeze3A : vector<2048xf32>
    %max3A_41 = arith.maximumf %squeeze3A, %mul3A_40 : vector<2048xf32>
    %swap3A = arith.constant 0 : index
    %swap3A_42 = arith.constant 0 : index
    %swap3A_43 = arith.constant 0 : index
    %swap3A_44 = arith.constant 0 : index
    %swap3A_45 = vector.load %arg16[%swap3A, %swap3A_42, %swap3A_43, %swap3A_44] : memref<1x1x1x2048xf32, #tpu.memory_space<vmem>>, vector<1x1x1x2048xf32>
    %swap3A_46 = vector.shape_cast %swap3A_45 : vector<1x1x1x2048xf32> to vector<2048xf32>
    %swap3A_47 = vector.shape_cast %max3A_41 : vector<2048xf32> to vector<1x1x1x2048xf32>
    tpu.vector_store %arg16[%swap3A, %swap3A_42, %swap3A_43, %swap3A_44], %swap3A_47 {strides = array<i32>} : memref<1x1x1x2048xf32, #tpu.memory_space<vmem>>, vector<1x1x1x2048xf32>,
    %slice3A_48 = vector.extract_strided_slice %add3A_37 {offsets = [0, 0], sizes = [128, 2048], strides = [1, 1]} : vector<129x2048xf32> to vector<128x2048xf32>
    %reduce_max3A = arith.constant dense<0xFF800000> : vector<2048xf32>
    %reduce_max3A_49 = vector.multi_reduction <maximumf>, %slice3A_48, %reduce_max3A [0] : vector<128x2048xf32> to vector<2048xf32>
    %broadcast_in_dim3A = vector.shape_cast %reduce_max3A_49 : vector<2048xf32> to vector<1x2048xf32>
    %iota3A = tpu.iota {dimensions = array<i32: 0>} : vector<128x2048xi32>
    %eq3A = vector.broadcast %broadcast_in_dim3A : vector<1x2048xf32> to vector<128x2048xf32>
    %eq3A_50 = arith.cmpf oeq, %slice3A_48, %eq3A : vector<128x2048xf32>
    %jit3A = arith.constant 128 : i32
    %broadcast_in_dim3A_51 = vector.broadcast %jit3A : i32 to vector<128x2048xi32>
    %select_n3A = arith.select %eq3A_50, %iota3A, %broadcast_in_dim3A_51 : vector<128x2048xi1>, vector<128x2048xi32>
    %reduce_min3A = arith.constant dense<2147483647> : vector<2048xi32>
    %reduce_min3A_52 = vector.multi_reduction <minsi>, %select_n3A, %reduce_min3A [0] : vector<128x2048xi32> to vector<2048xi32>
    %broadcast_in_dim3A_53 = vector.shape_cast %reduce_min3A_52 : vector<2048xi32> to vector<1x2048xi32>
    %swap3A_54 = arith.constant 0 : index
    %swap3A_55 = arith.constant 0 : index
    %swap3A_56 = vector.load %arg15[%swap3A_54, %swap3A_55] : memref<1x2048xi32, #tpu.memory_space<vmem>>, vector<1x2048xi32>
    tpu.vector_store %arg15[%swap3A_54, %swap3A_55], %broadcast_in_dim3A_53 {strides = array<i32>} : memref<1x2048xi32, #tpu.memory_space<vmem>>, vector<1x2048xi32>,
    %get3A_57 = arith.constant 0 : index
    %get3A_58 = arith.constant 0 : index
    %get3A_59 = vector.load %arg9[%get3A_57, %get3A_58] : memref<128x128xf32, #tpu.memory_space<vmem>>, vector<128x128xf32>
    %dot_general3A_60 = arith.constant dense<0.000000e+00> : vector<128x2048xf32>
    %dot_general3A_61 = tpu.matmul %get3A_59, %get3A_4, %dot_general3A_60 {dimension_numbers = #tpu.dot_dimension_numbers<[1], [0], [0], [1], [0, 0, 1, 1], [], []>, transpose_lhs_hint = false} : vector<128x128xf32>, vector<128x2048xf32>, vector<128x2048xf32> -> vector<128x2048xf32>
    %get3A_62 = arith.constant 0 : index
    %get3A_63 = vector.load %arg10[%get3A_62] : memref<128xf32, #tpu.memory_space<vmem>>, vector<128xf32>
    %reshape3A_64 = vector.shape_cast %get3A_63 : vector<128xf32> to vector<128x1xf32>
    %add3A_65 = vector.broadcast %reshape3A_64 : vector<128x1xf32> to vector<128x2048xf32>
    %add3A_66 = arith.addf %dot_general3A_61, %add3A_65 : vector<128x2048xf32>
    %mul3A_67 = arith.constant 0.00999999977 : f32
    %mul3A_68 = vector.broadcast %mul3A_67 : f32 to vector<128x2048xf32>
    %mul3A_69 = arith.mulf %mul3A_68, %add3A_66 : vector<128x2048xf32>
    %max3A_70 = arith.maximumf %add3A_66, %mul3A_69 : vector<128x2048xf32>
    %get3A_71 = arith.constant 0 : index
    %get3A_72 = arith.constant 0 : index
    %get3A_73 = vector.load %arg11[%get3A_71, %get3A_72] : memref<256x128xf32, #tpu.memory_space<vmem>>, vector<256x128xf32>
    %dot_general3A_74 = arith.constant dense<0.000000e+00> : vector<256x2048xf32>
    %dot_general3A_75 = tpu.matmul %get3A_73, %max3A_70, %dot_general3A_74 {dimension_numbers = #tpu.dot_dimension_numbers<[1], [0], [0], [1], [0, 0, 1, 1], [], []>, transpose_lhs_hint = false} : vector<256x128xf32>, vector<128x2048xf32>, vector<256x2048xf32> -> vector<256x2048xf32>
    %get3A_76 = arith.constant 0 : index
    %get3A_77 = arith.constant 0 : index
    %get3A_78 = vector.load %arg12[%get3A_76, %get3A_77] : memref<256x128xf32, #tpu.memory_space<vmem>>, vector<256x128xf32>
    %dot_general3A_79 = arith.constant dense<0.000000e+00> : vector<256x2048xf32>
    %dot_general3A_80 = tpu.matmul %get3A_78, %max3A, %dot_general3A_79 {dimension_numbers = #tpu.dot_dimension_numbers<[1], [0], [0], [1], [0, 0, 1, 1], [], []>, transpose_lhs_hint = false} : vector<256x128xf32>, vector<128x2048xf32>, vector<256x2048xf32> -> vector<256x2048xf32>
    %add3A_81 = arith.addf %dot_general3A_75, %dot_general3A_80 : vector<256x2048xf32>
    %jit3A_82 = arith.constant 16 : i32
    %div3A = vector.broadcast %jit3A_82 : i32 to vector<1x2048xi32>
    %div3A_83 = arith.divsi %broadcast_in_dim3A_53, %div3A : vector<1x2048xi32>
    %sign3A = arith.constant 0 : i32
    %sign3A_84 = vector.broadcast %sign3A : i32 to vector<1x2048xi32>
    %sign3A_85 = arith.cmpi sgt, %broadcast_in_dim3A_53, %sign3A_84 : vector<1x2048xi32>
    %sign3A_86 = arith.extui %sign3A_85 : vector<1x2048xi1> to vector<1x2048xi32>
    %sign3A_87 = arith.constant 0 : i32
    %sign3A_88 = vector.broadcast %sign3A_87 : i32 to vector<1x2048xi32>
    %sign3A_89 = arith.cmpi slt, %broadcast_in_dim3A_53, %sign3A_88 : vector<1x2048xi32>
    %sign3A_90 = arith.extui %sign3A_89 : vector<1x2048xi1> to vector<1x2048xi32>
    %sign3A_91 = arith.subi %sign3A_86, %sign3A_90 : vector<1x2048xi32>
    %sign3A_92 = arith.constant 0 : i32
    %sign3A_93 = arith.cmpi sgt, %jit3A_82, %sign3A_92 : i32
    %sign3A_94 = arith.extui %sign3A_93 : i1 to i32
    %sign3A_95 = arith.constant 0 : i32
    %sign3A_96 = arith.cmpi slt, %jit3A_82, %sign3A_95 : i32
    %sign3A_97 = arith.extui %sign3A_96 : i1 to i32
    %sign3A_98 = arith.subi %sign3A_94, %sign3A_97 : i32
    %ne3A = vector.broadcast %sign3A_98 : i32 to vector<1x2048xi32>
    %ne3A_99 = arith.cmpi ne, %sign3A_91, %ne3A : vector<1x2048xi32>
    %rem3A = vector.broadcast %jit3A_82 : i32 to vector<1x2048xi32>
    %rem3A_100 = arith.remsi %broadcast_in_dim3A_53, %rem3A : vector<1x2048xi32>
    %ne3A_101 = arith.constant 0 : i32
    %ne3A_102 = vector.broadcast %ne3A_101 : i32 to vector<1x2048xi32>
    %ne3A_103 = arith.cmpi ne, %rem3A_100, %ne3A_102 : vector<1x2048xi32>
    %and3A = arith.andi %ne3A_99, %ne3A_103 : vector<1x2048xi1>
    %sub3A = arith.constant 1 : i32
    %sub3A_104 = vector.broadcast %sub3A : i32 to vector<1x2048xi32>
    %sub3A_105 = arith.subi %div3A_83, %sub3A_104 : vector<1x2048xi32>
    %select_n3A_106 = arith.select %and3A, %sub3A_105, %div3A_83 : vector<1x2048xi1>, vector<1x2048xi32>
    %iota3A_107 = tpu.iota {dimensions = array<i32: 0>} : vector<8x2048xi32>
    %eq3A_108 = vector.broadcast %select_n3A_106 : vector<1x2048xi32> to vector<8x2048xi32>
    %eq3A_109 = arith.cmpi eq, %iota3A_107, %eq3A_108 : vector<8x2048xi32>
    %convert_element_type3A = arith.extui %eq3A_109 : vector<8x2048xi1> to vector<8x2048xi32>
    %convert_element_type3A_110 = arith.sitofp %convert_element_type3A : vector<8x2048xi32> to vector<8x2048xf32>
    %get3A_111 = arith.constant 0 : index
    %get3A_112 = arith.constant 0 : index
    %get3A_113 = vector.load %arg13[%get3A_111, %get3A_112] : memref<32x8xf32, #tpu.memory_space<vmem>>, vector<32x8xf32>
    %dot_general3A_114 = arith.constant dense<0.000000e+00> : vector<32x2048xf32>
    %dot_general3A_115 = tpu.matmul %get3A_113, %convert_element_type3A_110, %dot_general3A_114 {dimension_numbers = #tpu.dot_dimension_numbers<[1], [0], [0], [1], [0, 0, 1, 1], [], []>, transpose_lhs_hint = false} : vector<32x8xf32>, vector<8x2048xf32>, vector<32x2048xf32> -> vector<32x2048xf32>
    %slice3A_116 = vector.extract_strided_slice %add3A_81 {offsets = [0, 0], sizes = [32, 2048], strides = [1, 1]} : vector<256x2048xf32> to vector<32x2048xf32>
    %eq3A_117 = arith.constant 1 : i32
    %eq3A_118 = vector.broadcast %eq3A_117 : i32 to vector<1x2048xi32>
    %eq3A_119 = arith.cmpi eq, %select_n3A_106, %eq3A_118 : vector<1x2048xi32>
    %slice3A_120 = vector.extract_strided_slice %add3A_81 {offsets = [32, 0], sizes = [32, 2048], strides = [1, 1]} : vector<256x2048xf32> to vector<32x2048xf32>
    %broadcast_in_dim3A_121 = vector.shape_cast %eq3A_119 : vector<1x2048xi1> to vector<1x2048xi1>
    %broadcast_in_dim3A_122 = vector.broadcast %broadcast_in_dim3A_121 : vector<1x2048xi1> to vector<32x2048xi1>
    %select_n3A_123 = arith.select %broadcast_in_dim3A_122, %slice3A_120, %slice3A_116 : vector<32x2048xi1>, vector<32x2048xf32>
    %eq3A_124 = arith.constant 2 : i32
    %eq3A_125 = vector.broadcast %eq3A_124 : i32 to vector<1x2048xi32>
    %eq3A_126 = arith.cmpi eq, %select_n3A_106, %eq3A_125 : vector<1x2048xi32>
    %slice3A_127 = vector.extract_strided_slice %add3A_81 {offsets = [64, 0], sizes = [32, 2048], strides = [1, 1]} : vector<256x2048xf32> to vector<32x2048xf32>
    %broadcast_in_dim3A_128 = vector.shape_cast %eq3A_126 : vector<1x2048xi1> to vector<1x2048xi1>
    %broadcast_in_dim3A_129 = vector.broadcast %broadcast_in_dim3A_128 : vector<1x2048xi1> to vector<32x2048xi1>
    %select_n3A_130 = arith.select %broadcast_in_dim3A_129, %slice3A_127, %select_n3A_123 : vector<32x2048xi1>, vector<32x2048xf32>
    %eq3A_131 = arith.constant 3 : i32
    %eq3A_132 = vector.broadcast %eq3A_131 : i32 to vector<1x2048xi32>
    %eq3A_133 = arith.cmpi eq, %select_n3A_106, %eq3A_132 : vector<1x2048xi32>
    %slice3A_134 = vector.extract_strided_slice %add3A_81 {offsets = [96, 0], sizes = [32, 2048], strides = [1, 1]} : vector<256x2048xf32> to vector<32x2048xf32>
    %broadcast_in_dim3A_135 = vector.shape_cast %eq3A_133 : vector<1x2048xi1> to vector<1x2048xi1>
    %broadcast_in_dim3A_136 = vector.broadcast %broadcast_in_dim3A_135 : vector<1x2048xi1> to vector<32x2048xi1>
    %select_n3A_137 = arith.select %broadcast_in_dim3A_136, %slice3A_134, %select_n3A_130 : vector<32x2048xi1>, vector<32x2048xf32>
    %eq3A_138 = arith.constant 4 : i32
    %eq3A_139 = vector.broadcast %eq3A_138 : i32 to vector<1x2048xi32>
    %eq3A_140 = arith.cmpi eq, %select_n3A_106, %eq3A_139 : vector<1x2048xi32>
    %slice3A_141 = vector.extract_strided_slice %add3A_81 {offsets = [128, 0], sizes = [32, 2048], strides = [1, 1]} : vector<256x2048xf32> to vector<32x2048xf32>
    %broadcast_in_dim3A_142 = vector.shape_cast %eq3A_140 : vector<1x2048xi1> to vector<1x2048xi1>
    %broadcast_in_dim3A_143 = vector.broadcast %broadcast_in_dim3A_142 : vector<1x2048xi1> to vector<32x2048xi1>
    %select_n3A_144 = arith.select %broadcast_in_dim3A_143, %slice3A_141, %select_n3A_137 : vector<32x2048xi1>, vector<32x2048xf32>
    %eq3A_145 = arith.constant 5 : i32
    %eq3A_146 = vector.broadcast %eq3A_145 : i32 to vector<1x2048xi32>
    %eq3A_147 = arith.cmpi eq, %select_n3A_106, %eq3A_146 : vector<1x2048xi32>
    %slice3A_148 = vector.extract_strided_slice %add3A_81 {offsets = [160, 0], sizes = [32, 2048], strides = [1, 1]} : vector<256x2048xf32> to vector<32x2048xf32>
    %broadcast_in_dim3A_149 = vector.shape_cast %eq3A_147 : vector<1x2048xi1> to vector<1x2048xi1>
    %broadcast_in_dim3A_150 = vector.broadcast %broadcast_in_dim3A_149 : vector<1x2048xi1> to vector<32x2048xi1>
    %select_n3A_151 = arith.select %broadcast_in_dim3A_150, %slice3A_148, %select_n3A_144 : vector<32x2048xi1>, vector<32x2048xf32>
    %eq3A_152 = arith.constant 6 : i32
    %eq3A_153 = vector.broadcast %eq3A_152 : i32 to vector<1x2048xi32>
    %eq3A_154 = arith.cmpi eq, %select_n3A_106, %eq3A_153 : vector<1x2048xi32>
    %slice3A_155 = vector.extract_strided_slice %add3A_81 {offsets = [192, 0], sizes = [32, 2048], strides = [1, 1]} : vector<256x2048xf32> to vector<32x2048xf32>
    %broadcast_in_dim3A_156 = vector.shape_cast %eq3A_154 : vector<1x2048xi1> to vector<1x2048xi1>
    %broadcast_in_dim3A_157 = vector.broadcast %broadcast_in_dim3A_156 : vector<1x2048xi1> to vector<32x2048xi1>
    %select_n3A_158 = arith.select %broadcast_in_dim3A_157, %slice3A_155, %select_n3A_151 : vector<32x2048xi1>, vector<32x2048xf32>
    %eq3A_159 = arith.constant 7 : i32
    %eq3A_160 = vector.broadcast %eq3A_159 : i32 to vector<1x2048xi32>
    %eq3A_161 = arith.cmpi eq, %select_n3A_106, %eq3A_160 : vector<1x2048xi32>
    %slice3A_162 = vector.extract_strided_slice %add3A_81 {offsets = [224, 0], sizes = [32, 2048], strides = [1, 1]} : vector<256x2048xf32> to vector<32x2048xf32>
    %broadcast_in_dim3A_163 = vector.shape_cast %eq3A_161 : vector<1x2048xi1> to vector<1x2048xi1>
    %broadcast_in_dim3A_164 = vector.broadcast %broadcast_in_dim3A_163 : vector<1x2048xi1> to vector<32x2048xi1>
    %select_n3A_165 = arith.select %broadcast_in_dim3A_164, %slice3A_162, %select_n3A_158 : vector<32x2048xi1>, vector<32x2048xf32>
    %add3A_166 = arith.addf %select_n3A_165, %dot_general3A_115 : vector<32x2048xf32>
    %mul3A_167 = arith.constant 0.00999999977 : f32
    %mul3A_168 = vector.broadcast %mul3A_167 : f32 to vector<32x2048xf32>
    %mul3A_169 = arith.mulf %mul3A_168, %add3A_166 : vector<32x2048xf32>
    %max3A_170 = arith.maximumf %add3A_166, %mul3A_169 : vector<32x2048xf32>
    %swap3A_171 = arith.constant 0 : index
    %swap3A_172 = arith.constant 0 : index
    %swap3A_173 = vector.load %arg14[%swap3A_171, %swap3A_172] : memref<32x2048xf32, #tpu.memory_space<vmem>>, vector<32x2048xf32>
    tpu.vector_store %arg14[%swap3A_171, %swap3A_172], %max3A_170 {strides = array<i32>} : memref<32x2048xf32, #tpu.memory_space<vmem>>, vector<32x2048xf32>,
    return
  }
  func.func @transform_0(%arg0: i32, %arg1: i32) -> (i32, i32, i32, i32) {
    %c0_i32 = arith.constant 0 : i32
    %c0_i32_0 = arith.constant 0 : i32
    %c0_i32_1 = arith.constant 0 : i32
    return %arg0, %c0_i32, %c0_i32_0, %arg1 : i32, i32, i32, i32
  }
  func.func @transform_1(%arg0: i32, %arg1: i32) -> (i32, i32) {
    %c0_i32 = arith.constant 0 : i32
    %c0_i32_0 = arith.constant 0 : i32
    %c0_i32_1 = arith.constant 0 : i32
    return %c0_i32, %c0_i32_0 : i32, i32
  }
  func.func @transform_2(%arg0: i32, %arg1: i32) -> i32 {
    %c0_i32 = arith.constant 0 : i32
    %c0_i32_0 = arith.constant 0 : i32
    return %c0_i32 : i32
  }
  func.func @transform_3(%arg0: i32, %arg1: i32) -> (i32, i32) {
    %c0_i32 = arith.constant 0 : i32
    %c0_i32_0 = arith.constant 0 : i32
    %c0_i32_1 = arith.constant 0 : i32
    return %c0_i32, %c0_i32_0 : i32, i32
  }
  func.func @transform_4(%arg0: i32, %arg1: i32) -> i32 {
    %c0_i32 = arith.constant 0 : i32
    %c0_i32_0 = arith.constant 0 : i32
    return %c0_i32 : i32
  }
  func.func @transform_5(%arg0: i32, %arg1: i32) -> (i32, i32) {
    %c0_i32 = arith.constant 0 : i32
    %c0_i32_0 = arith.constant 0 : i32
    %c0_i32_1 = arith.constant 0 : i32
    return %c0_i32, %c0_i32_0 : i32, i32
  }
  func.func @transform_6(%arg0: i32, %arg1: i32) -> i32 {
    %c0_i32 = arith.constant 0 : i32
    %c0_i32_0 = arith.constant 0 : i32
    return %c0_i32 : i32
  }
  func.func @transform_7(%arg0: i32, %arg1: i32) -> (i32, i32) {
    %c0_i32 = arith.constant 0 : i32
    %c0_i32_0 = arith.constant 0 : i32
    %c0_i32_1 = arith.constant 0 : i32
    return %c0_i32, %c0_i32_0 : i32, i32
  }
  func.func @transform_8(%arg0: i32, %arg1: i32) -> i32 {
    %c0_i32 = arith.constant 0 : i32
    %c0_i32_0 = arith.constant 0 : i32
    return %c0_i32 : i32
  }
  func.func @transform_9(%arg0: i32, %arg1: i32) -> (i32, i32) {
    %c0_i32 = arith.constant 0 : i32
    %c0_i32_0 = arith.constant 0 : i32
    %c0_i32_1 = arith.constant 0 : i32
    return %c0_i32, %c0_i32_0 : i32, i32
  }
  func.func @transform_10(%arg0: i32, %arg1: i32) -> (i32, i32) {
    %c0_i32 = arith.constant 0 : i32
    %c0_i32_0 = arith.constant 0 : i32
    %c0_i32_1 = arith.constant 0 : i32
    return %c0_i32, %c0_i32_0 : i32, i32
  }
  func.func @transform_11(%arg0: i32, %arg1: i32) -> (i32, i32) {
    %c0_i32 = arith.constant 0 : i32
    %c0_i32_0 = arith.constant 0 : i32
    %c0_i32_1 = arith.constant 0 : i32
    return %c0_i32, %c0_i32_0 : i32, i32
  }
  func.func @transform_12(%arg0: i32, %arg1: i32) -> (i32, i32) {
    %mul3A = arith.constant 4 : i32
    %mul3A_0 = arith.muli %arg0, %mul3A : i32
    %add3A = arith.addi %mul3A_0, %arg1 : i32
    %c0_i32 = arith.constant 0 : i32
    %c0_i32_1 = arith.constant 0 : i32
    return %c0_i32, %add3A : i32, i32
  }
  func.func @transform_13(%arg0: i32, %arg1: i32) -> (i32, i32) {
    %mul3A = arith.constant 4 : i32
    %mul3A_0 = arith.muli %arg0, %mul3A : i32
    %add3A = arith.addi %mul3A_0, %arg1 : i32
    %c0_i32 = arith.constant 0 : i32
    %c0_i32_1 = arith.constant 0 : i32
    return %c0_i32, %add3A : i32, i32
  }
  func.func @transform_14(%arg0: i32, %arg1: i32) -> (i32, i32, i32, i32) {
    %c0_i32 = arith.constant 0 : i32
    %c0_i32_0 = arith.constant 0 : i32
    %c0_i32_1 = arith.constant 0 : i32
    return %arg0, %c0_i32, %c0_i32_0, %arg1 : i32, i32, i32, i32
  }
}

</mosaic_0001>

<sc_bundles>
// kernel: _run.4.cloned.1.call-start
scs
__scs_entry_jumppad:
0x0: {  	(pc) =	sbr.rel $0x88, $3  }
0x1: {  	(tag) =	ssettag $0x0;
	lr =	simm.s32 $0x1  }
0x2: {  	[smem:$0x3F94] =	sst lr;
	_ =	strace $0xD0000000  }
0x3: {  	_ = 	snop  }
0x4: {  	_ = 	snop  }
0x5: {  	_ = 	snop  }
0x6: {  	_ = 	snop  }
0x7: {  	_ = 	snop  }
__scs_overlays_trampoline_lowered:
0x8: {  	[smem:$0x3FA3] =	sst s0  }
0x9: {  	[smem:$0x3FA4] =	sst s1  }
0xa: {  	[smem:$0x3FA5] =	sst s2  }
0xb: {  	[smem:$0x3FA6] =	sst s3  }
0xc: {  	[smem:$0x3FA7] =	sst s4  }
0xd: {  	[smem:$0x3FA8] =	sst s5  }
0xe: {  	[smem:$0x3FA9] =	sst s6  }
0xf: {  	[smem:$0x3FAA] =	sst s7  }
0x10: {  	[smem:$0x3FAB] =	sst s8  }
0x11: {  	[smem:$0x3FAC] =	sst s9;
	s0 =	simm.s32 @!p0 $0x0  }
0x12: {  	s1 =	sld [smem:$0x3F92];
	s0 =	simm.s32 @p0 $0x1  }
0x13: {  	[smem:$0x3FAD] =	sst s0;
	s0 =	simm.s32 @!p1 $0x0  }
0x14: {  	s2 =	sld [smem:$0x3F91];
	s0 =	simm.s32 @p1 $0x1  }
0x15: {  	[smem:$0x3FAE] =	sst s0;
	s0 =	simm.s32 @!p2 $0x0  }
0x16: {  	s3 =	sld [smem:$0x3FDB];
	s0 =	simm.s32 @p2 $0x1  }
0x17: {  	s4 =	simm.s32 $0x1BF5;
	[smem:$0x3FB0] =	sst s0  }
0x18: {  	s0 =	sld [smem:$0x3F93];
	_ =	swait.ge [sflag:s4], $0x0  }
0x19: {  	s7 =	sld [smem:$0x3F94]  }
0x1a: {  	s8 =	sadd.s32 $0xFFFFE003, lr  }
0x1b: {  	s9 =	sadd.s32 $0xFFFFFEF7, lr;
	s5 =	simm.s32 $0xFFFFFFFF;
	p2 =	slt.u32 s8, $0xFFFFF086  }
0x1c: {  	p1 =	slt.u32 s9, $0xF7A;
	s5 =	simm.s32 @!p2 $0x0  }
0x1d: {  	s5 =	simm.s32 @p1 $0x1;
	p0 =	seq.s32 s7, s2  }
0x1e: {  	s7 =	smul.u32 @!p0 $0xF7A, s2;
	p2 =	seq.s32 @!p0 s5, $0x0  }
0x1f: {  	s9 =	smul.u32 $0xF7A, s1;
	s8 =	simm.s32 @!p0 $0x1BF5;
	p2 =	por !p2, p0  }
0x20: {  	[sflag:s8] =	ssyncset.s32 @!p0 $0xFFFFF086;
	s6 =	sadd.s32 @!p0 s3, s7;
	s7 =	simm.s32 @!p0 $0x108  }
0x21: {  	s3 =	sadd.s32 s3, s9;
	s6 =	sadd.s32 @!p0 $0x88, s6;
	s7 =	simm.s32 @p2 $0x1082  }
0x22: {  	[simem:s7], [sflag:s8] =	dma.local @!p0 [hbm:s6], $0xF7A  }
0x23: {  	s9 =	sor.u32 $0xD0000000, s2;
	s6 =	simm.s32 $0x108;
	_ =	swait.ge @!p0 [sflag:s8], $0x0  }
0x24: {  	s3 =	sadd.s32 $0x88, s3;
	s6 =	simm.s32 @!p1 $0x1082;
	[sflag:s4] =	ssyncset.s32 $0xFFFFF086  }
0x25: {  	[simem:s6], [sflag:s4] =	dma.local [hbm:s3], $0xF7A  }
0x26: {  	[smem:$0x3F94] =	sst s1;
	(tag) =	ssettag s2;
	_ =	strace s9  }
0x27: {  	s1 =	sld [smem:$0x3FA4]  }
0x28: {  	s2 =	sld [smem:$0x3FA5]  }
0x29: {  	s4 =	sld [smem:$0x3FA7]  }
0x2a: {  	p0 =	seq.s32 s5, $0x0;
	s5 =	sld [smem:$0x3FA8]  }
0x2b: {  	s6 =	sld [smem:$0x3FA9]  }
0x2c: {  	s7 =	sld [smem:$0x3FAA]  }
0x2d: {  	s3 =	simm.s32 $0x108;
	s8 =	sld [smem:$0x3FAB]  }
0x2e: {  	s3 =	simm.s32 @!p0 $0x1082;
	s9 =	sld [smem:$0x3FAC]  }
0x2f: {  	lr =	sadd.s32 s0, s3;
	s0 =	sld [smem:$0x3FA3]  }
0x30: {  	s3 =	sld [smem:$0x3FA6]  }
0x31: {  	[smem:$0x3FAF] =	sst s10  }
0x32: {  	s10 =	sld [smem:$0x3FAD];
	_ =	sdelay $0x3  }
0x33: {  	p0 =	seq.s32 s10, $0x1;
	s10 =	sld [smem:$0x3FAF];
	_ =	sdelay $0x3  }
0x34: {  	[smem:$0x3FAF] =	sst s10  }
0x35: {  	s10 =	sld [smem:$0x3FAE];
	_ =	sdelay $0x3  }
0x36: {  	p1 =	seq.s32 s10, $0x1;
	s10 =	sld [smem:$0x3FAF];
	_ =	sdelay $0x3  }
0x37: {  	[smem:$0x3FAF] =	sst s10  }
0x38: {  	s10 =	sld [smem:$0x3FB0]  }
0x39: {  	_ = 	snop;
	(pc) =	sbr.ind lr, $3  }
0x3a: {  	_ = 	snop  }
0x3b: {  	_ = 	snop  }
0x3c: {  	p2 =	seq.s32 s10, $0x1;
	s10 =	sld [smem:$0x3FAF]  }
0x3d: {  	_ =	shalt  }
0x3e: {  	_ =	shalt  }
0x3f: {  	_ =	shalt  }
0x40: {  	_ =	shalt  }
0x41: {  	_ =	shalt  }
0x42: {  	_ =	shalt  }
0x43: {  	_ =	shalt  }
0x44: {  	_ =	shalt  }
0x45: {  	_ =	shalt  }
0x46: {  	_ =	shalt  }
0x47: {  	_ =	shalt  }
0x48: {  	_ =	shalt  }
0x49: {  	_ =	shalt  }
0x4a: {  	_ =	shalt  }
0x4b: {  	_ =	shalt  }
0x4c: {  	_ =	shalt  }
0x4d: {  	_ =	shalt  }
0x4e: {  	_ =	shalt  }
0x4f: {  	_ =	shalt  }
0x50: {  	_ =	shalt  }
0x51: {  	_ =	shalt  }
0x52: {  	_ =	shalt  }
0x53: {  	_ =	shalt  }
0x54: {  	_ =	shalt  }
0x55: {  	_ =	shalt  }
0x56: {  	_ =	shalt  }
0x57: {  	_ =	shalt  }
0x58: {  	_ =	shalt  }
0x59: {  	_ =	shalt  }
0x5a: {  	_ =	shalt  }
0x5b: {  	_ =	shalt  }
0x5c: {  	_ =	shalt  }
0x5d: {  	_ =	shalt  }
0x5e: {  	_ =	shalt  }
0x5f: {  	_ =	shalt  }
0x60: {  	_ =	shalt  }
0x61: {  	_ =	shalt  }
0x62: {  	_ =	shalt  }
0x63: {  	_ =	shalt  }
0x64: {  	_ =	shalt  }
0x65: {  	_ =	shalt  }
0x66: {  	_ =	shalt  }
0x67: {  	_ =	shalt  }
0x68: {  	_ =	shalt  }
0x69: {  	_ =	shalt  }
0x6a: {  	_ =	shalt  }
0x6b: {  	_ =	shalt  }
0x6c: {  	_ =	shalt  }
0x6d: {  	_ =	shalt  }
0x6e: {  	_ =	shalt  }
0x6f: {  	_ =	shalt  }
0x70: {  	_ =	shalt  }
0x71: {  	_ =	shalt  }
0x72: {  	_ =	shalt  }
0x73: {  	_ =	shalt  }
0x74: {  	_ =	shalt  }
0x75: {  	_ =	shalt  }
0x76: {  	_ =	shalt  }
0x77: {  	_ =	shalt  }
0x78: {  	_ =	shalt  }
0x79: {  	_ =	shalt  }
0x7a: {  	_ =	shalt  }
0x7b: {  	_ =	shalt  }
0x7c: {  	_ =	shalt  }
0x7d: {  	_ =	shalt  }
0x7e: {  	_ =	shalt  }
0x7f: {  	_ =	shalt  }
0x80: {  	_ =	shalt  }
0x81: {  	_ =	shalt  }
0x82: {  	_ =	shalt  }
0x83: {  	_ =	shalt  }
0x84: {  	_ =	shalt  }
0x85: {  	_ =	shalt  }
0x86: {  	_ =	shalt  }
0x87: {  	_ =	shalt  }
.Lfunc_end0:
.L_simem_size_0:
called_computation_lowered:
.L_overlay_start_0:
0x88: {  	s2 =	sld [smem:$0x3FD9]  }
0x89: {  	s3 =	sld [smem:$0x3FFE];
	_ =	sdelay $0x1  }
0x8a: {  	s1 =	srdreg.scid  }
0x8b: {  	s0 =	sand.u32 $0x1, s1  }
0x8c: {  	s14 =	sshll.u32 s0, $0xA;
	s2 =	sadd.s32 s3, s2  }
0x8d: {  	s2 =	sadd.s32 s2, s14  }
0x8e: {  	[smem:$0x3FBB] =	sst s2  }
0x8f: {  	_ = 	snop  }
0x90: {  	s2 =	sld [smem:$0x3FD0];
	_ =	sdelay $0x2  }
0x91: {  	s4 =	simm.s32 $0xA;
	s5 =	simm.s32 $0x10;
	s15 =	sld [smem:$0x3FBD]  }
0x92: {  	[smem:s5], [sflag:s4] =	dma.local [hbm:s2], $0x1  }
0x93: {  	_ =	swait.eq [sflag:s4], $0x1  }
0x94: {  	[sflag:s4] =	ssyncset.done $0x0  }
0x95: {  	[sflag:s4] =	ssyncadd.s32 $0xFFFFFFFF  }
0x96: {  	s16 =	sld [smem:$0x10];
	(tm) =	ssettm $0x1  }
0x97: {  	s17 =	sld [smem:$0x3FFB];
	_ =	sdelay $0x3  }
0x98: {  	_ =	strace s17  }
0x99: {  	s4 =	sld [smem:$0x3FFC];
	_ =	sdelay $0x3  }
0x9a: {  	_ =	strace s4  }
0x9b: {  	s4 =	sld [smem:$0x3FFD];
	_ =	sdelay $0x3  }
0x9c: {  	_ =	strace s4  }
0x9d: {  	_ =	strace $0x8FFFFFFF  }
0x9e: {  	s18 =	sld [smem:$0x3FDB];
	_ =	sdelay $0x1  }
0x9f: {  	s19 =	simm.s32 $_scs_section_size  }
0xa0: {  	s6 =	simm.s32 $_size__tile_overlayer_lowered;
	s7 =	simm.s32 $_tile_overlayer_lowered  }
0xa1: {  	s22 =	simm.s32 $0x1BFF;
	s21 =	sshll.u32 s7, $0x1;
	s4 =	sadd.s32 s19, s18  }
0xa2: {  	s8 =	simm.s32 $0x0;
	s20 =	sshll.u32 s6, $0x1;
	s6 =	sadd.s32 s21, s4  }
0xa3: {  	[timem:s8], [sflag:s22] =	dma.local [hbm:s6], s20  }
0xa4: {  	_ =	swait.ge [sflag:s22], s20  }
0xa5: {  	s5 =	ssub.s32 $0x0, s20;
	[sflag:s22] =	ssyncset.done $0x0  }
0xa6: {  	[sflag:s22] =	ssyncadd.s32 s5;
	_ =	sdelay $0x1  }
0xa7: {  	s23 =	simm.s32 $0x1B8B  }
0xa8: {  	_ =	swait.ge [sflag:s23], $0x1  }
0xa9: {  	[sflag:s23] =	ssyncset.done $0x0  }
0xaa: {  	s25 =	simm.s32 $0x1B8E;
	s24 =	sld [smem:$0x3FFE];
	[sflag:s23] =	ssyncadd.s32 $0xFFFFFFFF  }
0xab: {  	s26 =	simm.s32 $execute0_lowered;
	[smem:$0x3FD2] =	sst s25  }
0xac: {  	s6 =	sshll.u32 s26, $0x1;
	_ =	strace $0x80000046;
	[dreg:$0x1] =	wrdreg $0xFFFFFFFF  }
0xad: {  	s28 =	simm.s32 $_size_execute0_lowered;
	s4 =	sadd.s32 s4, s6;
	[dreg:$0x0] =	wrdreg $0x0  }
0xae: {  	s6 =	sshll.u32 s28, $0x1;
	[dreg:$0x2] =	wrdreg s4  }
0xaf: {  	[dreg:$0x3] =	wrdreg s6  }
0xb0: {  	[dreg:$0x4] =	wrdreg $0xC0  }
0xb1: {  	_ =	task [dreg:s8], $0x5FFFF  }
0xb2: {  	[dreg:$0x1] =	wrdreg $0xFFFFFFFF  }
0xb3: {  	[dreg:$0x0] =	wrdreg $0x60  }
0xb4: {  	[dreg:$0x2] =	wrdreg s24  }
0xb5: {  	[dreg:$0x3] =	wrdreg s15  }
0xb6: {  	[dreg:$0x4] =	wrdreg s16  }
0xb7: {  	[dreg:$0x5] =	wrdreg $0x9  }
0xb8: {  	_ =	task.clear_ibuf [dreg:s8], $0x6FFFF;
	_ =	strace $0x90000046  }
0xb9: {  	s29 =	simm.s32 $0x9;
	_ =	strace $0x80000048  }
0xba: {  	_ =	swait.ge [sflag:s29], $0x1  }
0xbb: {  	[sflag:s29] =	ssyncadd.s32 $0xFFFFFFFF  }
0xbc: {  	_ =	strace $0x90000048  }
0xbd: {  	_ =	sfence  }
0xbe: {  	s30 =	sld [smem:$0x0];
	_ =	sdelay $0x2  }
0xbf: {  	s31 =	sshll.u32 s1, $0xD;
	s1 =	sshrl.u32 s1, $0x2  }
0xc0: {  	s3 =	sand.u32 $0x4000, s31;
	s1 =	sadd.s32 s1, s30  }
0xc1: {  	s0 =	sor.u32 s3, s0;
	s1 =	sshll.u32 s1, $0x11  }
0xc2: {  	s0 =	sor.u32 s1, s0  }
0xc3: {  	s0 =	sadd.s32 $0x8F2B, s0  }
0xc4: {  	[sflag:s0] =	ssyncadd.remote.s32 $0x1  }
0xc5: {  	_ =	sfence.sel $0xFFFF  }
0xc6: {  	[dreg:$0x0] =	wrdreg $0xFFFFFFFF;
	(pc) =	sbr.abs _section_cstart, $3  }
0xc7: {  	[dreg:$0x1] =	wrdreg $0xFFFFFFFF  }
0xc8: {  	_ =	task.clear_ibuf [dreg:s8], $0x2FFFF;
	_ =	strace $0x9FFFFFFF  }
0xc9: {  	(tm) =	ssettm $0x7FFFFFFF  }
tec
execute0_lowered:
.L_overlay_start_1:
0x0: {  	(tag) =	ssettag $0x1  }
0x1: {  	s0 =	rddreg [dreg:$0x0];
	s2 =	srdreg.scid  }
0x2: {  	s1 =	rddreg [dreg:$0x2];
	s3 =	stileid.u32;
	s2 =	sand.u32 $0x1, s2  }
0x3: {  	s6 =	simm.s32 $0x0;
	s3 =	sshll.u32 s3, $0xB;
	s4 =	sshll.u32 s2, $0xA  }
0x4: {  	[smem:$0x7FF] =	sst s6;
	s3 =	sor.u32 s4, s3  }
0x5: {  	s2 =	ssub.s32 $0x2, s2;
	s4 =	sshrl.u32 s3, $0x3;
	s3 =	sadd.s32 s3, s0  }
0x6: {  	_ =	strace $0x80000047;
	s5 =	sshrl.u32 s2, $0x1;
	s29 =	sadd.s32 $0x2000, s3  }
0x7: {  	s2 =	ssub.s32 s2, s5;
	s30 =	sadd.s32 s1, s4;
	[dreg:$0xb] =	wrdreg s29  }
0x8: {  	s0 =	sadd.s32 s4, s0;
	s31 =	smax.u32 s2, $0x1;
	[dreg:$0xc] =	wrdreg s30  }
0x9: {  	s12 =	simm.s32 $0x8400;
	s0 =	sadd.s32 $0x22000, s0;
	[dreg:$0xd] =	wrdreg s31  }
0xa: {  	s1 =	simm.s32 $0x1;
	s2 =	simm.s32 $0x0;
	[dreg:$0xa] =	wrdreg s0  }
.LBB2_1:
0xb: {  	[dreg:$0xe] =	wrdreg s2  }
0xc: {  	s0 =	rddreg [dreg:$0xa]  }
0xd: {  	[tilespmem:s6], [sflag:$0x1] =	stream.linear.gather [hbm4b:s0+s6], $0x400, $0x38;
	[tilespmem:$0x9880] =	vst v63  }
0xe: {  	_ =	swait.ge [sflag:s1], $0x400  }
0xf: {  	s21 =	simm.s32 $0x2000;
	s3 =	simm.s32 $0x40000;
	[sflag:s1] =	ssyncset.done $0x0  }
0x10: {  	s4 =	simm.s32 $0x400;
	s20 =	rddreg [dreg:$0xb];
	[sflag:s1] =	ssyncadd.s32 $0xFFFFFC00  }
0x11: {  	[tilespmem:s4], [sflag:$0x1] =	stream.strided.gather [hbm4b:s20+s21], $0x8000, s3, s21, $0x38;
	[tilespmem:$0x9880] =	vst v63  }
0x12: {  	_ =	swait.ge [sflag:s1], $0x8000  }
0x13: {  	[sflag:s1] =	ssyncset.done $0x0  }
0x14: {  	[sflag:s1] =	ssyncadd.s32 $0xFFFF8000  }
0x15: {  	s22 =	rddreg [dreg:$0x1]  }
0x16: {  	[tilespmem:s12], [sflag:$0x1] =	stream.linear.gather [hbm4b:s22+s6], $0x1080, $0x38;
	[tilespmem:$0x9880] =	vst v63  }
0x17: {  	_ =	swait.ge [sflag:s1], $0x1080  }
0x18: {  	s23 =	sor.u32 s6, s6;
	[sflag:s1] =	ssyncset.done $0x0  }
0x19: {  	s4 =	sor.u32 $0x380, s23;
	[sflag:s1] =	ssyncadd.s32 $0xFFFFEF80  }
0x1a: {  	v0 =	vld [tilespmem:s4+$0x400];
	_ =	sdelay $0x2  }
0x1b: {  	s2 =	sand.u32 $0x1C00, s6;
	s0 =	sand.u32 $0x60, s6  }
0x1c: {  	s3 =	sor.u32 $0x10, s0;
	s1 =	sadd.s32 $0x400, s2  }
0x1d: {  	s24 =	sand.u32 $0x3, s6;
	s5 =	sor.u32 s3, s1;
	[tilespmem:$0x1FB50] =	vst v0  }
0x1e: {  	s4 =	sshll.u32 s24, $0x5;
	v13 =	vld [tilespmem:s5+$0x0]  }
0x1f: {  	s4 =	sadd.s32 $0x0, s4;
	v18 =	vld [tilespmem:s5+$0x80]  }
0x20: {  	s25 =	sadd.s32 $0x10, s4;
	v19 =	vld [tilespmem:s5+$0x100]  }
0x21: {  	s6 =	sor.u32 $0x380, s25;
	v20 =	vld [tilespmem:s5+$0x180]  }
0x22: {  	v31 =	vld [tilespmem:s6+$0x400];
	s6 =	sadd.s32 $0x2480, s2  }
0x23: {  	v24 =	vld [tilespmem:s5+$0x200];
	s8 =	sor.u32 s3, s6  }
0x24: {  	v35 =	vld [tilespmem:s8+$0x0];
	s8 =	sadd.s32 $0x2580, s2  }
0x25: {  	v27 =	vld [tilespmem:s5+$0x280];
	s5 =	sadd.s32 $0x2400, s2;
	s10 =	sor.u32 s3, s8  }
0x26: {  	s7 =	sor.u32 s3, s5;
	v39 =	vld [tilespmem:s10+$0x0];
	s10 =	sadd.s32 $0x2680, s2  }
0x27: {  	v32 =	vld [tilespmem:s7+$0x0];
	s7 =	sadd.s32 $0x2500, s2;
	s13 =	sor.u32 s3, s10  }
0x28: {  	s9 =	sor.u32 s3, s7;
	v45 =	vld [tilespmem:s13+$0x0];
	s13 =	sadd.s32 $0x2780, s2  }
0x29: {  	v38 =	vld [tilespmem:s9+$0x0];
	s9 =	sadd.s32 $0x2600, s2;
	s15 =	sor.u32 s3, s13  }
0x2a: {  	s11 =	sor.u32 s3, s9;
	v49 =	vld [tilespmem:s15+$0x0];
	s15 =	sadd.s32 $0x4480, s2  }
0x2b: {  	v43 =	vld [tilespmem:s11+$0x0];
	s11 =	sadd.s32 $0x2700, s2;
	s17 =	sor.u32 s3, s15  }
0x2c: {  	s14 =	sor.u32 s3, s11;
	v53 =	vld [tilespmem:s17+$0x0];
	s17 =	sadd.s32 $0x4580, s2  }
0x2d: {  	v48 =	vld [tilespmem:s14+$0x0];
	s14 =	sadd.s32 $0x4400, s2;
	s19 =	sor.u32 s3, s17  }
0x2e: {  	s16 =	sor.u32 s3, s14;
	v59 =	vld [tilespmem:s19+$0x0];
	s19 =	sadd.s32 $0x4680, s2  }
0x2f: {  	v51 =	vld [tilespmem:s16+$0x0];
	s21 =	sor.u32 s3, s19  }
0x30: {  	s16 =	sadd.s32 $0x4500, s2;
	v0 =	vld [tilespmem:s21+$0x0]  }
0x31: {  	s18 =	sor.u32 s3, s16  }
0x32: {  	v56 =	vld [tilespmem:s18+$0x0];
	s18 =	sadd.s32 $0x4600, s2  }
0x33: {  	s20 =	sor.u32 s3, s18  }
0x34: {  	s26 =	sor.u32 $0x300, s25;
	v61 =	vld [tilespmem:s20+$0x0];
	s20 =	sadd.s32 $0x4700, s2  }
0x35: {  	v29 =	vld [tilespmem:s26+$0x400];
	s22 =	sor.u32 s3, s20;
	[tilespmem:$0x1FB60] =	vst v0  }
0x36: {  	v0 =	vld [tilespmem:s22+$0x0];
	_ =	sdelay $0x3  }
0x37: {  	s21 =	sadd.s32 $0x4780, s2  }
0x38: {  	s23 =	sor.u32 s3, s21;
	[tilespmem:$0x1FB70] =	vst v0  }
0x39: {  	v0 =	vld [tilespmem:s23+$0x0];
	_ =	sdelay $0x3  }
0x3a: {  	s22 =	sadd.s32 $0x6400, s2  }
0x3b: {  	s24 =	sor.u32 s3, s22;
	[tilespmem:$0x1FB80] =	vst v0  }
0x3c: {  	v0 =	vld [tilespmem:s24+$0x0];
	_ =	sdelay $0x3  }
0x3d: {  	s23 =	sadd.s32 $0x6480, s2  }
0x3e: {  	s25 =	sor.u32 s3, s23;
	[tilespmem:$0x1FB90] =	vst v0  }
0x3f: {  	v0 =	vld [tilespmem:s25+$0x0];
	_ =	sdelay $0x3  }
0x40: {  	s24 =	sadd.s32 $0x6500, s2  }
0x41: {  	s28 =	sor.u32 s3, s24;
	[tilespmem:$0x1FBA0] =	vst v0  }
0x42: {  	v0 =	vld [tilespmem:s28+$0x0];
	_ =	sdelay $0x3  }
0x43: {  	s26 =	sadd.s32 $0x6580, s2  }
0x44: {  	s29 =	sor.u32 s3, s26;
	[tilespmem:$0x1FBC0] =	vst v0  }
0x45: {  	v0 =	vld [tilespmem:s29+$0x0];
	_ =	sdelay $0x3  }
0x46: {  	s28 =	sadd.s32 $0x6600, s2  }
0x47: {  	s30 =	sor.u32 s3, s28;
	[tilespmem:$0x1FC90] =	vst v0  }
0x48: {  	v0 =	vld [tilespmem:s30+$0x0];
	_ =	sdelay $0x3  }
0x49: {  	s29 =	sadd.s32 $0x6680, s2  }
0x4a: {  	s31 =	sor.u32 s3, s29;
	[tilespmem:$0x1FCD0] =	vst v0  }
0x4b: {  	v0 =	vld [tilespmem:s31+$0x0];
	_ =	sdelay $0x3  }
0x4c: {  	s30 =	sadd.s32 $0x6700, s2  }
0x4d: {  	s31 =	sor.u32 s3, s30;
	[tilespmem:$0x1FD10] =	vst v0  }
0x4e: {  	v0 =	vld [tilespmem:s31+$0x0];
	_ =	sdelay $0x3  }
0x4f: {  	s2 =	sadd.s32 $0x6780, s2  }
0x50: {  	s31 =	sor.u32 s3, s2;
	[tilespmem:$0x1FD50] =	vst v0  }
0x51: {  	v0 =	vld [tilespmem:s31+$0x0];
	_ =	sdelay $0x4  }
0x52: {  	s1 =	sor.u32 s0, s1;
	[tilespmem:$0x1FD90] =	vst v0  }
0x53: {  	s4 =	sor.u32 $0x300, s4;
	v36 =	vld [tilespmem:s1+$0x0]  }
0x54: {  	v0 =	vld [tilespmem:s4+$0x400]  }
0x55: {  	v40 =	vld [tilespmem:s1+$0x80]  }
0x56: {  	v47 =	vld [tilespmem:s1+$0x100]  }
0x57: {  	v54 =	vld [tilespmem:s1+$0x180]  }
0x58: {  	v58 =	vld [tilespmem:s1+$0x200]  }
0x59: {  	s5 =	sor.u32 s0, s5;
	v63 =	vld [tilespmem:s1+$0x280];
	[tilespmem:$0x1FBB0] =	vst v0  }
0x5a: {  	v0 =	vld [tilespmem:s5+$0x0];
	_ =	sdelay $0x4  }
0x5b: {  	s6 =	sor.u32 s0, s6;
	[tilespmem:$0x1FBD0] =	vst v0  }
0x5c: {  	v0 =	vld [tilespmem:s6+$0x0];
	_ =	sdelay $0x4  }
0x5d: {  	s7 =	sor.u32 s0, s7;
	[tilespmem:$0x1FBE0] =	vst v0  }
0x5e: {  	v0 =	vld [tilespmem:s7+$0x0];
	_ =	sdelay $0x4  }
0x5f: {  	s8 =	sor.u32 s0, s8;
	[tilespmem:$0x1FBF0] =	vst v0  }
0x60: {  	v0 =	vld [tilespmem:s8+$0x0];
	_ =	sdelay $0x4  }
0x61: {  	s9 =	sor.u32 s0, s9;
	[tilespmem:$0x1FC00] =	vst v0  }
0x62: {  	v0 =	vld [tilespmem:s9+$0x0];
	_ =	sdelay $0x4  }
0x63: {  	s25 =	sor.u32 s0, s10;
	[tilespmem:$0x1FC10] =	vst v0  }
0x64: {  	v0 =	vld [tilespmem:s25+$0x0];
	_ =	sdelay $0x4  }
0x65: {  	s31 =	sor.u32 s0, s11;
	[tilespmem:$0x1FC20] =	vst v0  }
0x66: {  	v0 =	vld [tilespmem:s31+$0x0];
	_ =	sdelay $0x4  }
0x67: {  	s5 =	sor.u32 s0, s13;
	[tilespmem:$0x1FC30] =	vst v0  }
0x68: {  	v0 =	vld [tilespmem:s5+$0x0];
	_ =	sdelay $0x4  }
0x69: {  	s6 =	sor.u32 s0, s14;
	[tilespmem:$0x1FC40] =	vst v0  }
0x6a: {  	v0 =	vld [tilespmem:s6+$0x0];
	_ =	sdelay $0x4  }
0x6b: {  	s7 =	sor.u32 s0, s15;
	[tilespmem:$0x1FC50] =	vst v0  }
0x6c: {  	v0 =	vld [tilespmem:s7+$0x0];
	_ =	sdelay $0x4  }
0x6d: {  	s8 =	sor.u32 s0, s16;
	[tilespmem:$0x1FC70] =	vst v0  }
0x6e: {  	v0 =	vld [tilespmem:s8+$0x0];
	_ =	sdelay $0x4  }
0x6f: {  	s9 =	sor.u32 s0, s17;
	[tilespmem:$0x1FCA0] =	vst v0  }
0x70: {  	v0 =	vld [tilespmem:s9+$0x0];
	_ =	sdelay $0x4  }
0x71: {  	s10 =	sor.u32 s0, s18;
	[tilespmem:$0x1FCC0] =	vst v0  }
0x72: {  	v0 =	vld [tilespmem:s10+$0x0];
	_ =	sdelay $0x4  }
0x73: {  	s11 =	sor.u32 s0, s19;
	[tilespmem:$0x1FCF0] =	vst v0  }
0x74: {  	v0 =	vld [tilespmem:s11+$0x0];
	_ =	sdelay $0x4  }
0x75: {  	s13 =	sor.u32 s0, s20;
	[tilespmem:$0x1FD20] =	vst v0  }
0x76: {  	v0 =	vld [tilespmem:s13+$0x0];
	_ =	sdelay $0x4  }
0x77: {  	s14 =	sor.u32 s0, s21;
	[tilespmem:$0x1FD40] =	vst v0  }
0x78: {  	v0 =	vld [tilespmem:s14+$0x0];
	_ =	sdelay $0x4  }
0x79: {  	s15 =	sor.u32 s0, s22;
	[tilespmem:$0x1FD70] =	vst v0  }
0x7a: {  	v0 =	vld [tilespmem:s15+$0x0];
	_ =	sdelay $0x4  }
0x7b: {  	s16 =	sor.u32 s0, s23;
	[tilespmem:$0x1FDA0] =	vst v0  }
0x7c: {  	v0 =	vld [tilespmem:s16+$0x0];
	_ =	sdelay $0x4  }
0x7d: {  	s17 =	sor.u32 s0, s24;
	[tilespmem:$0x1FDC0] =	vst v0  }
0x7e: {  	v0 =	vld [tilespmem:s17+$0x0];
	_ =	sdelay $0x4  }
0x7f: {  	s18 =	sor.u32 s0, s26;
	[tilespmem:$0x1FDE0] =	vst v0  }
0x80: {  	v0 =	vld [tilespmem:s18+$0x0];
	_ =	sdelay $0x4  }
0x81: {  	s19 =	sor.u32 s0, s28;
	[tilespmem:$0x1FE00] =	vst v0  }
0x82: {  	v0 =	vld [tilespmem:s19+$0x0];
	_ =	sdelay $0x4  }
0x83: {  	s20 =	sor.u32 s0, s29;
	[tilespmem:$0x1FE30] =	vst v0  }
0x84: {  	v0 =	vld [tilespmem:s20+$0x0];
	_ =	sdelay $0x4  }
0x85: {  	s21 =	sor.u32 s0, s30;
	[tilespmem:$0x1FE60] =	vst v0  }
0x86: {  	v0 =	vld [tilespmem:s21+$0x0];
	_ =	sdelay $0x3  }
0x87: {  	s23 =	simm.s32 $0x100  }
0x88: {  	s0 =	sor.u32 s0, s2;
	[dreg:$0x5] =	wrdreg s23;
	[tilespmem:$0x1FE90] =	vst v0  }
0x89: {  	v0 =	vld [tilespmem:s0+$0x0];
	_ =	sdelay $0x2  }
0x8a: {  	s4 =	simm.s32 $0x20;
	s22 =	simm.s32 $0x100  }
0x8b: {  	s24 =	sor.u32 s22, s4  }
0x8c: {  	s25 =	sor.u32 $0x380, s24;
	[tilespmem:$0x1FEC0] =	vst v0  }
0x8d: {  	v0 =	vld [tilespmem:s25+$0x400];
	_ =	sdelay $0x2  }
0x8e: {  	s8 =	sand.u32 $0x1C00, s22;
	s18 =	sand.u32 $0x60, s4  }
0x8f: {  	s7 =	sadd.s32 $0x400, s8;
	s6 =	sor.u32 $0x10, s18  }
0x90: {  	s29 =	simm.s32 $0x1;
	s26 =	sor.u32 s6, s7;
	[tilespmem:$0x1FFA0] =	vst v0  }
0x91: {  	v23 =	vld [tilespmem:s26+$0x0];
	[dreg:$0x6] =	wrdreg s29  }
0x92: {  	s28 =	simm.s32 $0x1;
	v28 =	vld [tilespmem:s26+$0x80]  }
0x93: {  	s30 =	sand.u32 $0x3, s28;
	v30 =	vld [tilespmem:s26+$0x100]  }
0x94: {  	s0 =	sshll.u32 s30, $0x5;
	v34 =	vld [tilespmem:s26+$0x180]  }
0x95: {  	s21 =	sadd.s32 $0x2580, s8;
	s14 =	sadd.s32 $0x100, s0;
	v37 =	vld [tilespmem:s26+$0x200]  }
0x96: {  	s10 =	sor.u32 s6, s21;
	s0 =	sadd.s32 $0x10, s14;
	v42 =	vld [tilespmem:s26+$0x280]  }
0x97: {  	s31 =	sor.u32 $0x300, s0;
	v0 =	vld [tilespmem:s10+$0x0]  }
0x98: {  	s15 =	sadd.s32 $0x2400, s8;
	s0 =	sor.u32 $0x380, s0;
	v46 =	vld [tilespmem:s31+$0x400]  }
0x99: {  	s16 =	sadd.s32 $0x2480, s8;
	s2 =	sor.u32 s6, s15;
	v50 =	vld [tilespmem:s0+$0x400]  }
0x9a: {  	s17 =	sadd.s32 $0x2500, s8;
	s5 =	sor.u32 s6, s16;
	v55 =	vld [tilespmem:s2+$0x0]  }
0x9b: {  	s9 =	sor.u32 s6, s17;
	v57 =	vld [tilespmem:s5+$0x0];
	s5 =	sadd.s32 $0x2600, s8  }
0x9c: {  	v62 =	vld [tilespmem:s9+$0x0];
	s11 =	sor.u32 s6, s5;
	[tilespmem:$0x1FC60] =	vst v0  }
0x9d: {  	v0 =	vld [tilespmem:s11+$0x0];
	_ =	sdelay $0x3  }
0x9e: {  	s2 =	sadd.s32 $0x2680, s8  }
0x9f: {  	s19 =	sor.u32 s6, s2;
	[tilespmem:$0x1FC80] =	vst v0  }
0xa0: {  	v0 =	vld [tilespmem:s19+$0x0];
	_ =	sdelay $0x3  }
0xa1: {  	s13 =	sadd.s32 $0x2700, s8  }
0xa2: {  	s20 =	sor.u32 s6, s13;
	[tilespmem:$0x1FCB0] =	vst v0  }
0xa3: {  	v0 =	vld [tilespmem:s20+$0x0];
	_ =	sdelay $0x3  }
0xa4: {  	s11 =	sadd.s32 $0x2780, s8  }
0xa5: {  	s22 =	sor.u32 s6, s11;
	[tilespmem:$0x1FCE0] =	vst v0  }
0xa6: {  	v0 =	vld [tilespmem:s22+$0x0];
	_ =	sdelay $0x3  }
0xa7: {  	s10 =	sadd.s32 $0x4400, s8  }
0xa8: {  	s23 =	sor.u32 s6, s10;
	[tilespmem:$0x1FD00] =	vst v0  }
0xa9: {  	v0 =	vld [tilespmem:s23+$0x0];
	_ =	sdelay $0x3  }
0xaa: {  	s9 =	sadd.s32 $0x4480, s8  }
0xab: {  	s24 =	sor.u32 s6, s9;
	[tilespmem:$0x1FD30] =	vst v0  }
0xac: {  	v0 =	vld [tilespmem:s24+$0x0];
	_ =	sdelay $0x3  }
0xad: {  	s22 =	sadd.s32 $0x4500, s8  }
0xae: {  	s25 =	sor.u32 s6, s22;
	[tilespmem:$0x1FD60] =	vst v0  }
0xaf: {  	v0 =	vld [tilespmem:s25+$0x0];
	_ =	sdelay $0x3  }
0xb0: {  	s1 =	sadd.s32 $0x4580, s8  }
0xb1: {  	s26 =	sor.u32 s6, s1;
	[tilespmem:$0x1FD80] =	vst v0  }
0xb2: {  	v0 =	vld [tilespmem:s26+$0x0];
	_ =	sdelay $0x3  }
0xb3: {  	s23 =	sadd.s32 $0x4600, s8  }
0xb4: {  	s28 =	sor.u32 s6, s23;
	[tilespmem:$0x1FDB0] =	vst v0  }
0xb5: {  	v0 =	vld [tilespmem:s28+$0x0];
	_ =	sdelay $0x3  }
0xb6: {  	s31 =	sadd.s32 $0x4680, s8  }
0xb7: {  	s29 =	sor.u32 s6, s31;
	[tilespmem:$0x1FDD0] =	vst v0  }
0xb8: {  	v0 =	vld [tilespmem:s29+$0x0];
	_ =	sdelay $0x3  }
0xb9: {  	s30 =	sadd.s32 $0x4700, s8  }
0xba: {  	s0 =	sor.u32 s6, s30;
	[tilespmem:$0x1FDF0] =	vst v0  }
0xbb: {  	v0 =	vld [tilespmem:s0+$0x0];
	_ =	sdelay $0x3  }
0xbc: {  	s29 =	sadd.s32 $0x4780, s8  }
0xbd: {  	s24 =	sor.u32 s6, s29;
	[tilespmem:$0x1FE20] =	vst v0  }
0xbe: {  	v0 =	vld [tilespmem:s24+$0x0];
	_ =	sdelay $0x3  }
0xbf: {  	s28 =	sadd.s32 $0x6400, s8  }
0xc0: {  	s25 =	sor.u32 s6, s28;
	[tilespmem:$0x1FE50] =	vst v0  }
0xc1: {  	v0 =	vld [tilespmem:s25+$0x0];
	_ =	sdelay $0x3  }
0xc2: {  	s26 =	sadd.s32 $0x6480, s8  }
0xc3: {  	s0 =	sor.u32 s6, s26;
	[tilespmem:$0x1FE80] =	vst v0  }
0xc4: {  	v0 =	vld [tilespmem:s0+$0x0];
	_ =	sdelay $0x3  }
0xc5: {  	s25 =	sadd.s32 $0x6500, s8  }
0xc6: {  	s20 =	sor.u32 s6, s25;
	[tilespmem:$0x1FEB0] =	vst v0  }
0xc7: {  	v0 =	vld [tilespmem:s20+$0x0];
	_ =	sdelay $0x3  }
0xc8: {  	s24 =	sadd.s32 $0x6580, s8  }
0xc9: {  	s0 =	sor.u32 s6, s24;
	[tilespmem:$0x1FEE0] =	vst v0  }
0xca: {  	v0 =	vld [tilespmem:s0+$0x0];
	_ =	sdelay $0x3  }
0xcb: {  	s20 =	sadd.s32 $0x6600, s8;
	s0 =	sadd.s32 $0x6680, s8  }
0xcc: {  	s19 =	sor.u32 s6, s20;
	[dreg:$0x10] =	wrdreg s0;
	[tilespmem:$0x1FEF0] =	vst v0  }
0xcd: {  	v0 =	vld [tilespmem:s19+$0x0];
	_ =	sdelay $0x3  }
0xce: {  	s19 =	sor.u32 s6, s0;
	s0 =	sadd.s32 $0x6700, s8  }
0xcf: {  	[dreg:$0xf] =	wrdreg s0;
	[tilespmem:$0x1FF10] =	vst v0  }
0xd0: {  	v0 =	vld [tilespmem:s19+$0x0];
	_ =	sdelay $0x4  }
0xd1: {  	s0 =	sor.u32 s6, s0;
	[tilespmem:$0x1FF30] =	vst v0  }
0xd2: {  	v0 =	vld [tilespmem:s0+$0x0];
	_ =	sdelay $0x3  }
0xd3: {  	s19 =	sadd.s32 $0x6780, s8  }
0xd4: {  	s0 =	sor.u32 s6, s19;
	[tilespmem:$0x1FF50] =	vst v0  }
0xd5: {  	v0 =	vld [tilespmem:s0+$0x0];
	_ =	sdelay $0x4  }
0xd6: {  	s7 =	sor.u32 s18, s7;
	[tilespmem:$0x1FF70] =	vst v0  }
0xd7: {  	v0 =	vld [tilespmem:s7+$0x0];
	_ =	sdelay $0x3  }
0xd8: {  	s0 =	simm.s32 $0x0  }
0xd9: {  	v41 =	vld [tilespmem:s0+$0x0];
	[tilespmem:$0x1FF00] =	vst v0  }
0xda: {  	v0 =	vld [tilespmem:s7+$0x80];
	_ =	sdelay $0x4  }
0xdb: {  	[tilespmem:$0x1FF20] =	vst v0  }
0xdc: {  	v0 =	vld [tilespmem:s7+$0x100];
	_ =	sdelay $0x4  }
0xdd: {  	[tilespmem:$0x1FF40] =	vst v0  }
0xde: {  	v0 =	vld [tilespmem:s7+$0x180];
	_ =	sdelay $0x4  }
0xdf: {  	[tilespmem:$0x1FF60] =	vst v0  }
0xe0: {  	v0 =	vld [tilespmem:s7+$0x200];
	_ =	sdelay $0x4  }
0xe1: {  	[tilespmem:$0x1FF80] =	vst v0  }
0xe2: {  	v0 =	vld [tilespmem:s7+$0x280];
	_ =	sdelay $0x4  }
0xe3: {  	s14 =	sor.u32 $0x300, s14;
	[tilespmem:$0x1FF90] =	vst v0  }
0xe4: {  	v0 =	vld [tilespmem:s14+$0x400];
	_ =	sdelay $0x4  }
0xe5: {  	s15 =	sor.u32 s18, s15;
	[tilespmem:$0x1FFB0] =	vst v0  }
0xe6: {  	v0 =	vld [tilespmem:s15+$0x0];
	_ =	sdelay $0x4  }
0xe7: {  	s8 =	sor.u32 s18, s16;
	[tilespmem:$0x1FFC0] =	vst v0  }
0xe8: {  	v0 =	vld [tilespmem:s8+$0x0];
	_ =	sdelay $0x4  }
0xe9: {  	s14 =	sor.u32 s18, s17;
	[tilespmem:$0x1FFD0] =	vst v0  }
0xea: {  	v0 =	vld [tilespmem:s14+$0x0];
	_ =	sdelay $0x4  }
0xeb: {  	s15 =	sor.u32 s18, s21;
	[tilespmem:$0x1FFE0] =	vst v0  }
0xec: {  	v0 =	vld [tilespmem:s15+$0x0]  }
0xed: {  	v3 =	vadd.s32 $0xF80, v41;
	_ =	sdelay $0x3  }
0xee: {  	[tilespmem:$0x1FFF0] =	vst v0  }
0xef: {  	v0 =	vld.idx.msk [tilespmem:v3+s12+$0x0], $0xffff  }
0xf0: {  	v4 =	vadd.s32 $0xF00, v41;
	_ =	sdelay $0x3  }
0xf1: {  	[tilespmem:$0x1FED0] =	vst v0  }
0xf2: {  	v0 =	vld.idx.msk [tilespmem:v4+s12+$0x0], $0xffff  }
0xf3: {  	v5 =	vadd.s32 $0xE80, v41;
	_ =	sdelay $0x3  }
0xf4: {  	[tilespmem:$0x1FEA0] =	vst v0  }
0xf5: {  	v0 =	vld.idx.msk [tilespmem:v5+s12+$0x0], $0xffff  }
0xf6: {  	v6 =	vadd.s32 $0xE00, v41;
	_ =	sdelay $0x3  }
0xf7: {  	[tilespmem:$0x1FE70] =	vst v0  }
0xf8: {  	v0 =	vld.idx.msk [tilespmem:v6+s12+$0x0], $0xffff  }
0xf9: {  	v7 =	vadd.s32 $0xD80, v41;
	_ =	sdelay $0x3  }
0xfa: {  	[tilespmem:$0x1FE40] =	vst v0  }
0xfb: {  	v0 =	vld.idx.msk [tilespmem:v7+s12+$0x0], $0xffff  }
0xfc: {  	v3 =	vadd.s32 $0xD00, v41  }
0xfd: {  	v4 =	vadd.s32 $0xC80, v41  }
0xfe: {  	v5 =	vadd.s32 $0xC00, v41  }
0xff: {  	v6 =	vadd.s32 $0xB80, v41  }
0x100: {  	[tilespmem:$0x1FE10] =	vst v0  }
0x101: {  	v7 =	vadd.s32 $0xB00, v41;
	v60 =	vld.idx.msk [tilespmem:v3+s12+$0x0], $0xffff  }
0x102: {  	v52 =	vld.idx.msk [tilespmem:v4+s12+$0x0], $0xffff;
	v4 =	vadd.s32 $0xA80, v41  }
0x103: {  	s16 =	sand.u32 $0x380, s0;
	v44 =	vld.idx.msk [tilespmem:v5+s12+$0x0], $0xffff;
	v5 =	vadd.s32 $0xA00, v41  }
0x104: {  	v9 =	vadd.s32 $0x900, v41;
	s21 =	sor.u32 s16, s3;
	v33 =	vld.idx.msk [tilespmem:v6+s12+$0x0], $0xffff  }
0x105: {  	v6 =	vadd.s32 $0x980, v41;
	v3 =	vld [tilespmem:s21+$0x0]  }
0x106: {  	v26 =	vld.idx.msk [tilespmem:v7+s12+$0x0], $0xffff;
	v7 =	vadd.s32 $0x880, v41  }
0x107: {  	v25 =	vld.idx.msk [tilespmem:v4+s12+$0x0], $0xffff;
	v4 =	vadd.s32 $0x800, v41  }
0x108: {  	v22 =	vld.idx.msk [tilespmem:v5+s12+$0x0], $0xffff;
	v5 =	vadd.s32 $0x780, v41  }
0x109: {  	v17 =	vld.idx.msk [tilespmem:v9+s12+$0x0], $0xffff  }
0x10a: {  	v21 =	vld.idx.msk [tilespmem:v6+s12+$0x0], $0xffff;
	v6 =	vadd.s32 $0x1000, v3  }
0x10b: {  	v16 =	vld.idx.msk [tilespmem:v7+s12+$0x0], $0xffff;
	v7 =	vadd.s32 $0x80, v3  }
0x10c: {  	v15 =	vld.idx.msk [tilespmem:v4+s12+$0x0], $0xffff;
	v4 =	vadd.s32 $0x700, v41  }
0x10d: {  	v14 =	vld.idx.msk [tilespmem:v5+s12+$0x0], $0xffff;
	v5 =	vadd.s32 $0x100, v3  }
0x10e: {  	v2 =	vadd.s32 $0x680, v41;
	v0 =	vld.idx.msk [tilespmem:v3+s12+$0x0], $0xffff  }
0x10f: {  	v1 =	vadd.s32 $0x180, v3;
	v8 =	vld.idx.msk [tilespmem:v6+s12+$0x0], $0xffff  }
0x110: {  	v6 =	vld.idx.msk [tilespmem:v7+s12+$0x0], $0xffff;
	v7 =	vadd.s32 $0x600, v41  }
0x111: {  	v12 =	vld.idx.msk [tilespmem:v4+s12+$0x0], $0xffff;
	v4 =	vadd.s32 $0x200, v3  }
0x112: {  	v9 =	vadd.s32 $0x580, v41;
	v5 =	vld.idx.msk [tilespmem:v5+s12+$0x0], $0xffff  }
0x113: {  	v0 =	vmul.f32 v0, v13;
	v13 =	vld.idx.msk [tilespmem:v2+s12+$0x0], $0xffff;
	v2 =	vadd.s32 $0x280, v3  }
0x114: {  	v10 =	vadd.s32 $0x500, v41;
	v1 =	vld.idx.msk [tilespmem:v1+s12+$0x0], $0xffff  }
0x115: {  	v0 =	vadd.f32 v0, v8;
	v8 =	vmul.f32 v6, v18;
	v11 =	vld.idx.msk [tilespmem:v7+s12+$0x0], $0xffff;
	v7 =	vadd.s32 $0x300, v3  }
0x116: {  	v18 =	vld.idx.msk [tilespmem:v4+s12+$0x0], $0xffff;
	v4 =	vadd.s32 $0x480, v41  }
0x117: {  	v6 =	vld.idx.msk [tilespmem:v9+s12+$0x0], $0xffff;
	v0 =	vadd.f32 v8, v0;
	v8 =	vmul.f32 v5, v19;
	v19 =	vadd.s32 $0x380, v3  }
0x118: {  	v2 =	vld.idx.msk [tilespmem:v2+s12+$0x0], $0xffff;
	v5 =	vadd.s32 $0x400, v41  }
0x119: {  	v1 =	vmul.f32 v1, v20;
	v9 =	vld.idx.msk [tilespmem:v10+s12+$0x0], $0xffff;
	v0 =	vadd.f32 v8, v0;
	v8 =	vadd.s32 $0x400, v3  }
0x11a: {  	v10 =	vadd.s32 $0x380, v41;
	v7 =	vld.idx.msk [tilespmem:v7+s12+$0x0], $0xffff  }
0x11b: {  	v0 =	vadd.f32 v1, v0;
	v1 =	vmul.f32 v18, v24;
	v18 =	vld.idx.msk [tilespmem:v4+s12+$0x0], $0xffff;
	v4 =	vadd.s32 $0x480, v3  }
0x11c: {  	v19 =	vld.idx.msk [tilespmem:v19+s12+$0x0], $0xffff;
	v24 =	vadd.s32 $0x300, v41  }
0x11d: {  	v20 =	vld.idx.msk [tilespmem:v5+s12+$0x0], $0xffff;
	v0 =	vadd.f32 v1, v0;
	v1 =	vmul.f32 v2, v27;
	v2 =	vadd.s32 $0x500, v3  }
0x11e: {  	v5 =	vld.idx.msk [tilespmem:v8+s12+$0x0], $0xffff;
	v8 =	vadd.s32 $0x280, v41  }
0x11f: {  	v0 =	vadd.f32 v1, v0;
	v1 =	vmul.f32 v7, v29;
	v7 =	vld.idx.msk [tilespmem:v10+s12+$0x0], $0xffff;
	v10 =	vadd.s32 $0x580, v3  }
0x120: {  	v27 =	vadd.s32 $0x200, v41;
	v4 =	vld.idx.msk [tilespmem:v4+s12+$0x0], $0xffff  }
0x121: {  	v0 =	vadd.f32 v1, v0;
	v1 =	vmul.f32 v19, v31;
	v19 =	vld.idx.msk [tilespmem:v24+s12+$0x0], $0xffff;
	v24 =	vadd.s32 $0x600, v3  }
0x122: {  	v29 =	vadd.s32 $0x180, v41;
	v2 =	vld.idx.msk [tilespmem:v2+s12+$0x0], $0xffff  }
0x123: {  	v0 =	vadd.f32 v1, v0;
	v1 =	vmul.f32 v5, v32;
	v5 =	vld.idx.msk [tilespmem:v8+s12+$0x0], $0xffff;
	v8 =	vadd.s32 $0x680, v3  }
0x124: {  	v31 =	vadd.s32 $0x100, v41;
	v10 =	vld.idx.msk [tilespmem:v10+s12+$0x0], $0xffff  }
0x125: {  	v0 =	vadd.f32 v1, v0;
	v1 =	vmul.f32 v4, v35;
	v4 =	vld.idx.msk [tilespmem:v27+s12+$0x0], $0xffff;
	v27 =	vadd.s32 $0x700, v3  }
0x126: {  	v24 =	vld.idx.msk [tilespmem:v24+s12+$0x0], $0xffff  }
0x127: {  	v0 =	vadd.f32 v1, v0;
	v1 =	vmul.f32 v2, v38;
	v2 =	vld.idx.msk [tilespmem:v29+s12+$0x0], $0xffff;
	v29 =	vadd.s32 $0x780, v3  }
0x128: {  	v32 =	vadd.s32 $0x1000, v41;
	v8 =	vld.idx.msk [tilespmem:v8+s12+$0x0], $0xffff  }
0x129: {  	v0 =	vadd.f32 v1, v0;
	v1 =	vmul.f32 v10, v39;
	v10 =	vld.idx.msk [tilespmem:v31+s12+$0x0], $0xffff;
	v31 =	vadd.s32 $0x800, v3  }
0x12a: {  	v27 =	vld.idx.msk [tilespmem:v27+s12+$0x0], $0xffff  }
0x12b: {  	v38 =	vadd.s32 $0x880, v3;
	v0 =	vadd.f32 v1, v0;
	v1 =	vmul.f32 v24, v43  }
0x12c: {  	v29 =	vld.idx.msk [tilespmem:v29+s12+$0x0], $0xffff  }
0x12d: {  	v24 =	vld.idx.msk [tilespmem:v32+s12+$0x0], $0xffff;
	v32 =	vadd.s32 $0x900, v3;
	v0 =	vadd.f32 v1, v0;
	v1 =	vmul.f32 v8, v45  }
0x12e: {  	v31 =	vld.idx.msk [tilespmem:v31+s12+$0x0], $0xffff  }
0x12f: {  	v39 =	vadd.s32 $0x980, v3;
	v0 =	vadd.f32 v1, v0;
	v1 =	vmul.f32 v27, v48  }
0x130: {  	v27 =	vld.idx.msk [tilespmem:v38+s12+$0x0], $0xffff  }
0x131: {  	v8 =	vadd.s32 $0xA00, v3;
	v0 =	vadd.f32 v1, v0;
	v1 =	vmul.f32 v29, v49  }
0x132: {  	v32 =	vld.idx.msk [tilespmem:v32+s12+$0x0], $0xffff  }
0x133: {  	v0 =	vadd.f32 v1, v0;
	v1 =	vmul.f32 v31, v51  }
0x134: {  	v29 =	vld.idx.msk [tilespmem:v39+s12+$0x0], $0xffff  }
0x135: {  	v0 =	vadd.f32 v1, v0;
	v1 =	vmul.f32 v27, v53  }
0x136: {  	v39 =	vld.idx.msk [tilespmem:v8+s12+$0x0], $0xffff  }
0x137: {  	v43 =	vadd.s32 $0xA80, v3;
	v32 =	vmul.f32 v32, v56;
	v1 =	vadd.f32 v1, v0;
	_ =	sdelay $0x1  }
0x138: {  	v29 =	vmul.f32 v29, v59;
	v1 =	vadd.f32 v32, v1;
	_ =	sdelay $0x1  }
0x139: {  	v1 =	vadd.f32 v29, v1;
	v29 =	vmul.f32 v39, v61  }
0x13a: {  	v31 =	vld.idx.msk [tilespmem:v43+s12+$0x0], $0xffff  }
0x13b: {  	v35 =	vadd.s32 $0x80, v41;
	v1 =	vadd.f32 v29, v1;
	v29 =	vld [tilespmem:$0x1FB60]  }
0x13c: {  	v38 =	vadd.s32 $0xB00, v3;
	_ =	sdelay $0x2  }
0x13d: {  	v45 =	vld.idx.msk [tilespmem:v41+s12+$0x0], $0xffff  }
0x13e: {  	v35 =	vld.idx.msk [tilespmem:v35+s12+$0x0], $0xffff;
	v48 =	vadd.s32 $0xB80, v3;
	v31 =	vmul.f32 v31, v29  }
0x13f: {  	v38 =	vld.idx.msk [tilespmem:v38+s12+$0x0], $0xffff  }
0x140: {  	v8 =	vadd.s32 $0xC00, v3;
	v1 =	vadd.f32 v31, v1;
	v31 =	vld [tilespmem:$0x1FB70];
	_ =	sdelay $0x1  }
0x141: {  	v45 =	vmul.f32 v45, v36  }
0x142: {  	s17 =	simm.s32 $0x20;
	v43 =	vld.idx.msk [tilespmem:v48+s12+$0x0], $0xffff  }
0x143: {  	s0 =	sand.u32 $0x380, s4;
	v35 =	vmul.f32 v35, v40;
	v24 =	vadd.f32 v45, v24;
	v27 =	vadd.s32 $0xC80, v3;
	v0 =	vld [tilespmem:s4+$0x0];
	[dreg:$0x4] =	wrdreg s17  }
0x144: {  	s3 =	sor.u32 s0, s6;
	v51 =	vld.idx.msk [tilespmem:v8+s12+$0x0], $0xffff;
	v31 =	vmul.f32 v38, v31  }
0x145: {  	v10 =	vmul.f32 v10, v47;
	v56 =	vadd.s32 $0xE80, v3;
	v35 =	vadd.f32 v35, v24;
	v8 =	vld [tilespmem:s3+$0x0]  }
0x146: {  	v53 =	vadd.s32 $0xE00, v3;
	v31 =	vadd.f32 v31, v1;
	v1 =	vld [tilespmem:$0x1FB80]  }
0x147: {  	v2 =	vmul.f32 v2, v54;
	v54 =	vld [tilespmem:$0x1FB90];
	v10 =	vadd.f32 v10, v35  }
0x148: {  	v59 =	vld.idx.msk [tilespmem:v27+s12+$0x0], $0xffff  }
0x149: {  	v10 =	vadd.f32 v2, v10;
	v2 =	vld [tilespmem:$0x1FBA0]  }
0x14a: {  	v29 =	vld.idx.msk [tilespmem:v56+s12+$0x0], $0xffff;
	v56 =	vadd.s32 $0x1000, v8  }
0x14b: {  	v32 =	vld.idx.msk [tilespmem:v53+s12+$0x0], $0xffff;
	v53 =	vadd.s32 $0x80, v8;
	v43 =	vmul.f32 v43, v1;
	_ =	sdelay $0x1  }
0x14c: {  	v61 =	vld [tilespmem:$0x1FB50];
	v31 =	vadd.f32 v43, v31;
	v43 =	vmul.f32 v51, v54  }
0x14d: {  	v47 =	vld.idx.msk [tilespmem:v8+s12+$0x0], $0xffff  }
0x14e: {  	v59 =	vmul.f32 v59, v2;
	v40 =	vld.idx.msk [tilespmem:v56+s12+$0x0], $0xffff;
	v31 =	vadd.f32 v43, v31  }
0x14f: {  	v38 =	vld.idx.msk [tilespmem:v53+s12+$0x0], $0xffff  }
0x150: {  	v4 =	vmul.f32 v4, v58;
	v43 =	vadd.f32 v59, v31;
	v31 =	vld [tilespmem:$0x1FBB0];
	_ =	sdelay $0x1  }
0x151: {  	v5 =	vmul.f32 v5, v63;
	v4 =	vadd.f32 v4, v10  }
0x152: {  	v7 =	vmul.f32 v7, v61;
	v61 =	vadd.s32 $0xF00, v0;
	v23 =	vmul.f32 v47, v23  }
0x153: {  	v58 =	vadd.s32 $0xC00, v0;
	v45 =	vadd.s32 $0x100, v8;
	v4 =	vadd.f32 v5, v4  }
0x154: {  	v23 =	vadd.f32 v23, v40;
	v19 =	vmul.f32 v19, v31;
	v31 =	vmul.f32 v38, v28  }
0x155: {  	v56 =	vadd.s32 $0x180, v8  }
0x156: {  	v4 =	vadd.f32 v19, v4;
	v19 =	vadd.f32 v31, v23;
	v23 =	vld [tilespmem:$0x1FBD0]  }
0x157: {  	v2 =	vld.idx.msk [tilespmem:v61+s12+$0x0], $0xffff;
	v61 =	vadd.s32 $0x200, v8  }
0x158: {  	v10 =	vld.idx.msk [tilespmem:v45+s12+$0x0], $0xffff;
	v54 =	vadd.s32 $0x280, v8  }
0x159: {  	v28 =	vld.idx.msk [tilespmem:v58+s12+$0x0], $0xffff;
	v58 =	vadd.s32 $0x300, v8  }
0x15a: {  	v5 =	vld.idx.msk [tilespmem:v56+s12+$0x0], $0xffff  }
0x15b: {  	v20 =	vmul.f32 v20, v23;
	v23 =	vld [tilespmem:$0x1FBE0]  }
0x15c: {  	v61 =	vld.idx.msk [tilespmem:v61+s12+$0x0], $0xffff;
	v4 =	vadd.f32 v7, v4  }
0x15d: {  	v10 =	vmul.f32 v10, v30;
	v30 =	vadd.s32 $0x380, v8;
	v7 =	vld.idx.msk [tilespmem:v54+s12+$0x0], $0xffff  }
0x15e: {  	v48 =	vadd.s32 $0xD00, v3;
	v4 =	vadd.f32 v20, v4;
	v20 =	vld.idx.msk [tilespmem:v58+s12+$0x0], $0xffff  }
0x15f: {  	v5 =	vmul.f32 v5, v34;
	v51 =	vadd.s32 $0x400, v8;
	v10 =	vadd.f32 v10, v19;
	v58 =	vld [tilespmem:$0x1FBF0]  }
0x160: {  	v18 =	vmul.f32 v18, v23  }
0x161: {  	v53 =	vadd.s32 $0x480, v8;
	v5 =	vadd.f32 v5, v10;
	v10 =	vmul.f32 v61, v37  }
0x162: {  	v4 =	vadd.f32 v18, v4;
	v18 =	vld.idx.msk [tilespmem:v30+s12+$0x0], $0xffff  }
0x163: {  	v48 =	vld.idx.msk [tilespmem:v48+s12+$0x0], $0xffff;
	v54 =	vadd.s32 $0x500, v8;
	v5 =	vadd.f32 v10, v5;
	v7 =	vmul.f32 v7, v42  }
0x164: {  	v56 =	vadd.s32 $0xA00, v0;
	v10 =	vld.idx.msk [tilespmem:v51+s12+$0x0], $0xffff;
	v9 =	vmul.f32 v9, v58  }
0x165: {  	v59 =	vld [tilespmem:$0x1FBC0];
	v5 =	vadd.f32 v7, v5;
	v7 =	vmul.f32 v20, v46  }
0x166: {  	v4 =	vadd.f32 v9, v4;
	v9 =	vld.idx.msk [tilespmem:v53+s12+$0x0], $0xffff  }
0x167: {  	v61 =	vld [tilespmem:$0x1FC00];
	v5 =	vadd.f32 v7, v5;
	v7 =	vmul.f32 v18, v50  }
0x168: {  	v20 =	vld.idx.msk [tilespmem:v54+s12+$0x0], $0xffff  }
0x169: {  	v19 =	vld.idx.msk [tilespmem:v56+s12+$0x0], $0xffff;
	v56 =	vadd.s32 $0x580, v8;
	v5 =	vadd.f32 v7, v5;
	v7 =	vmul.f32 v10, v55  }
0x16a: {  	v46 =	vld [tilespmem:$0x1FC10]  }
0x16b: {  	v5 =	vadd.f32 v7, v5;
	v7 =	vmul.f32 v9, v57  }
0x16c: {  	v40 =	vmul.f32 v48, v59;
	v48 =	vld [tilespmem:$0x1FC20];
	v6 =	vmul.f32 v6, v61  }
0x16d: {  	v51 =	vld [tilespmem:$0x1FC30];
	v5 =	vadd.f32 v7, v5;
	v7 =	vmul.f32 v20, v62  }
0x16e: {  	v4 =	vadd.f32 v6, v4;
	v6 =	vld.idx.msk [tilespmem:v56+s12+$0x0], $0xffff  }
0x16f: {  	v11 =	vmul.f32 v11, v46;
	v5 =	vadd.f32 v7, v5;
	v7 =	vld [tilespmem:$0x1FC60]  }
0x170: {  	v30 =	vadd.s32 $0x600, v8  }
0x171: {  	v13 =	vmul.f32 v13, v48;
	v4 =	vadd.f32 v11, v4  }
0x172: {  	v49 =	vadd.s32 $0xD80, v3  }
0x173: {  	v59 =	vadd.s32 $0x680, v8;
	v12 =	vmul.f32 v12, v51;
	v4 =	vadd.f32 v13, v4  }
0x174: {  	v6 =	vmul.f32 v6, v7  }
0x175: {  	v18 =	vld.idx.msk [tilespmem:v30+s12+$0x0], $0xffff;
	v4 =	vadd.f32 v12, v4;
	v12 =	vadd.s32 $0xB00, v8  }
0x176: {  	v5 =	vadd.f32 v6, v5;
	v6 =	vld [tilespmem:$0x1FC80]  }
0x177: {  	v36 =	vld.idx.msk [tilespmem:v49+s12+$0x0], $0xffff  }
0x178: {  	v11 =	vld.idx.msk [tilespmem:v59+s12+$0x0], $0xffff  }
0x179: {  	v55 =	vld [tilespmem:$0x1FC40]  }
0x17a: {  	v63 =	vadd.s32 $0x900, v0;
	v59 =	vld.idx.msk [tilespmem:v12+s12+$0x0], $0xffff  }
0x17b: {  	v12 =	vld [tilespmem:$0x1FC90];
	v6 =	vmul.f32 v18, v6  }
0x17c: {  	v57 =	vld [tilespmem:$0x1FC50]  }
0x17d: {  	v5 =	vadd.f32 v6, v5;
	v6 =	vld [tilespmem:$0x1FCB0]  }
0x17e: {  	v45 =	vadd.s32 $0xB00, v0;
	v58 =	vld [tilespmem:$0x1FC70]  }
0x17f: {  	v23 =	vld.idx.msk [tilespmem:v63+s12+$0x0], $0xffff;
	v63 =	vadd.s32 $0x700, v8;
	v14 =	vmul.f32 v14, v55  }
0x180: {  	v40 =	vadd.f32 v40, v43;
	v7 =	vadd.s32 $0xC80, v8;
	v12 =	vmul.f32 v36, v12;
	v18 =	vld [tilespmem:$0x1FCA0]  }
0x181: {  	v15 =	vmul.f32 v15, v57;
	v4 =	vadd.f32 v14, v4  }
0x182: {  	v6 =	vmul.f32 v11, v6;
	v11 =	vadd.f32 v12, v40;
	v12 =	vld [tilespmem:$0x1FCC0]  }
0x183: {  	v31 =	vld.idx.msk [tilespmem:v45+s12+$0x0], $0xffff;
	v45 =	vadd.s32 $0x780, v8;
	v16 =	vmul.f32 v16, v58;
	v4 =	vadd.f32 v15, v4  }
0x184: {  	v10 =	vld.idx.msk [tilespmem:v63+s12+$0x0], $0xffff  }
0x185: {  	v4 =	vadd.f32 v16, v4;
	v62 =	vld.idx.msk [tilespmem:v7+s12+$0x0], $0xffff;
	v17 =	vmul.f32 v17, v18  }
0x186: {  	v27 =	vadd.s32 $0xF00, v3;
	v39 =	vadd.s32 $0xF80, v3;
	v7 =	vld [tilespmem:$0x1FCD0]  }
0x187: {  	v4 =	vadd.f32 v17, v4;
	v6 =	vadd.f32 v6, v5;
	v5 =	vld [tilespmem:$0x1FCE0];
	v12 =	vmul.f32 v21, v12  }
0x188: {  	v35 =	vadd.s32 $0xD00, v0;
	v13 =	vld.idx.msk [tilespmem:v45+s12+$0x0], $0xffff  }
0x189: {  	v49 =	vadd.s32 $0xF80, v0;
	v12 =	vadd.f32 v12, v4;
	v4 =	vld [tilespmem:$0x1FD00]  }
0x18a: {  	v47 =	vadd.s32 $0x800, v8  }
0x18b: {  	v27 =	vld.idx.msk [tilespmem:v27+s12+$0x0], $0xffff  }
0x18c: {  	v24 =	vld.idx.msk [tilespmem:v39+s12+$0x0], $0xffff;
	v54 =	vadd.s32 $0xA80, v8;
	v7 =	vmul.f32 v32, v7;
	v10 =	vmul.f32 v10, v5  }
0x18d: {  	v39 =	vld.idx.msk [tilespmem:v35+s12+$0x0], $0xffff  }
0x18e: {  	v1 =	vld.idx.msk [tilespmem:v49+s12+$0x0], $0xffff;
	v11 =	vadd.f32 v7, v11;
	v7 =	vadd.f32 v10, v6;
	v10 =	vmul.f32 v13, v4  }
0x18f: {  	v9 =	vld.idx.msk [tilespmem:v47+s12+$0x0], $0xffff  }
0x190: {  	v53 =	vadd.s32 $0xA00, v8;
	v10 =	vadd.f32 v10, v7;
	v7 =	vld [tilespmem:$0x1FD30]  }
0x191: {  	v30 =	vadd.s32 $0x880, v8;
	v37 =	vld.idx.msk [tilespmem:v54+s12+$0x0], $0xffff  }
0x192: {  	v46 =	vld [tilespmem:$0x1FE40]  }
0x193: {  	v54 =	vld [tilespmem:$0x1FEA0]  }
0x194: {  	v56 =	vadd.s32 $0xB80, v8;
	v58 =	vld [tilespmem:$0x1FEC0]  }
0x195: {  	v38 =	vld.idx.msk [tilespmem:v53+s12+$0x0], $0xffff;
	v9 =	vmul.f32 v9, v7  }
0x196: {  	v50 =	vadd.s32 $0x980, v8;
	v30 =	vld.idx.msk [tilespmem:v30+s12+$0x0], $0xffff  }
0x197: {  	v9 =	vadd.f32 v9, v10;
	v10 =	vld [tilespmem:$0x1FD60]  }
0x198: {  	v49 =	vadd.s32 $0x900, v8;
	v53 =	vld [tilespmem:$0x1FE90]  }
0x199: {  	v35 =	vld.idx.msk [tilespmem:v56+s12+$0x0], $0xffff  }
0x19a: {  	v56 =	vld [tilespmem:$0x1FEB0]  }
0x19b: {  	v34 =	vld.idx.msk [tilespmem:v50+s12+$0x0], $0xffff  }
0x19c: {  	v50 =	vld [tilespmem:$0x1FE70];
	v10 =	vmul.f32 v30, v10  }
0x19d: {  	v20 =	vld.idx.msk [tilespmem:v49+s12+$0x0], $0xffff;
	v14 =	vadd.s32 $0xC00, v8  }
0x19e: {  	v15 =	vadd.s32 $0xD00, v8;
	v9 =	vadd.f32 v10, v9;
	v10 =	vld [tilespmem:$0x1FD80]  }
0x19f: {  	v49 =	vld [tilespmem:$0x1FE60]  }
0x1a0: {  	v42 =	vmul.f32 v54, v53;
	v54 =	vld [tilespmem:$0x1FF20]  }
0x1a1: {  	v5 =	vld [tilespmem:$0x1FCF0]  }
0x1a2: {  	v61 =	vld.idx.msk [tilespmem:v14+s12+$0x0], $0xffff  }
0x1a3: {  	v63 =	vld.idx.msk [tilespmem:v15+s12+$0x0], $0xffff;
	v10 =	vmul.f32 v20, v10  }
0x1a4: {  	v6 =	vld [tilespmem:$0x1FD10]  }
0x1a5: {  	v57 =	vadd.s32 $0xF00, v8;
	v9 =	vadd.f32 v10, v9;
	v10 =	vld [tilespmem:$0x1FDB0]  }
0x1a6: {  	v18 =	vld [tilespmem:$0x1FD90];
	v14 =	vmul.f32 v22, v5  }
0x1a7: {  	v17 =	vld [tilespmem:$0x1FD70]  }
0x1a8: {  	v12 =	vadd.f32 v14, v12;
	v14 =	vld [tilespmem:$0x1FD50]  }
0x1a9: {  	v13 =	vmul.f32 v29, v6;
	v6 =	vld [tilespmem:$0x1FD20]  }
0x1aa: {  	v40 =	vld.idx.msk [tilespmem:v57+s12+$0x0], $0xffff;
	v10 =	vmul.f32 v34, v10  }
0x1ab: {  	v11 =	vadd.f32 v13, v11;
	v13 =	vld [tilespmem:$0x1FD40]  }
0x1ac: {  	v9 =	vadd.f32 v10, v9;
	v10 =	vld [tilespmem:$0x1FDD0]  }
0x1ad: {  	s5 =	sor.u32 s18, s5;
	v57 =	vld [tilespmem:$0x1FF40];
	v16 =	vmul.f32 v27, v14  }
0x1ae: {  	v5 =	vld [tilespmem:s5+$0x0];
	v15 =	vmul.f32 v25, v6  }
0x1af: {  	s2 =	sor.u32 s18, s2;
	v11 =	vadd.f32 v16, v11;
	v20 =	vmul.f32 v24, v18;
	v18 =	vld [tilespmem:$0x1FDA0]  }
0x1b0: {  	v4 =	vld [tilespmem:s2+$0x0];
	v13 =	vmul.f32 v26, v13;
	v15 =	vadd.f32 v15, v12  }
0x1b1: {  	v11 =	vadd.f32 v20, v11;
	v20 =	vld [tilespmem:$0x1FDC0];
	v10 =	vmul.f32 v38, v10  }
0x1b2: {  	v17 =	vmul.f32 v33, v17;
	v13 =	vadd.f32 v13, v15;
	v24 =	vld [tilespmem:$0x1FDE0]  }
0x1b3: {  	v3 =	vcvt.s32.f32 v3;
	v9 =	vadd.f32 v10, v9;
	v10 =	vld [tilespmem:$0x1FDF0]  }
0x1b4: {  	v26 =	vld [tilespmem:$0x1FE10];
	v13 =	vadd.f32 v17, v13;
	v21 =	vmul.f32 v44, v18  }
0x1b5: {  	s16 =	sor.u32 s18, s29;
	v3 =	vadd.f32 v3, v11;
	v11 =	vld [tilespmem:$0x1FE00]  }
0x1b6: {  	s6 =	sor.u32 s18, s13;
	v22 =	vld [tilespmem:s16+$0x0];
	v20 =	vmul.f32 v52, v20;
	v13 =	vadd.f32 v21, v13  }
0x1b7: {  	s7 =	sor.u32 s18, s11;
	v6 =	vld [tilespmem:s6+$0x0]  }
0x1b8: {  	s8 =	sor.u32 s18, s10;
	s10 =	sor.u32 s18, s9;
	v7 =	vld [tilespmem:s7+$0x0];
	v25 =	vmul.f32 v60, v24;
	v13 =	vadd.f32 v20, v13;
	v10 =	vmul.f32 v37, v10  }
0x1b9: {  	v14 =	vld [tilespmem:s10+$0x0]  }
0x1ba: {  	v11 =	vmul.f32 v26, v11;
	v13 =	vadd.f32 v25, v13;
	v27 =	vadd.f32 v10, v9;
	v9 =	vld [tilespmem:$0x1FE20]  }
0x1bb: {  	v12 =	vld [tilespmem:s8+$0x0];
	v30 =	vadd.s32 $0xD80, v8  }
0x1bc: {  	s1 =	sor.u32 s18, s1;
	v13 =	vadd.f32 v11, v13;
	v11 =	vld [tilespmem:$0x1FE50]  }
0x1bd: {  	s11 =	sor.u32 s18, s22;
	v16 =	vld [tilespmem:s1+$0x0]  }
0x1be: {  	s13 =	sor.u32 s18, s23;
	v15 =	vld [tilespmem:s11+$0x0]  }
0x1bf: {  	v17 =	vld [tilespmem:s13+$0x0];
	v29 =	vmul.f32 v59, v9  }
0x1c0: {  	v30 =	vld.idx.msk [tilespmem:v30+s12+$0x0], $0xffff  }
0x1c1: {  	s14 =	sor.u32 s18, s31;
	v34 =	vmul.f32 v62, v56;
	v62 =	vld [tilespmem:$0x1FEE0];
	v27 =	vadd.f32 v29, v27;
	v29 =	vmul.f32 v35, v11  }
0x1c2: {  	v18 =	vld [tilespmem:s14+$0x0]  }
0x1c3: {  	s22 =	sor.u32 s18, s26;
	v52 =	vadd.s32 $0xE80, v8;
	v27 =	vadd.f32 v29, v27;
	v29 =	vld [tilespmem:$0x1FE80]  }
0x1c4: {  	s15 =	sor.u32 s18, s30;
	v24 =	vld [tilespmem:s22+$0x0]  }
0x1c5: {  	s17 =	sor.u32 s18, s28;
	v21 =	vld [tilespmem:s15+$0x0];
	v26 =	vadd.s32 $0x800, v0  }
0x1c6: {  	s23 =	sor.u32 s18, s25;
	v20 =	vld [tilespmem:s17+$0x0];
	v32 =	vmul.f32 v63, v62;
	v63 =	vadd.s32 $0xF80, v8  }
0x1c7: {  	v25 =	vld [tilespmem:s23+$0x0]  }
0x1c8: {  	v36 =	vld.idx.msk [tilespmem:v52+s12+$0x0], $0xffff;
	v29 =	vmul.f32 v61, v29  }
0x1c9: {  	v37 =	vmul.f32 v50, v49;
	v49 =	vld [tilespmem:$0x1FEF0]  }
0x1ca: {  	v48 =	vadd.s32 $0xE00, v8;
	v26 =	vld.idx.msk [tilespmem:v26+s12+$0x0], $0xffff;
	v27 =	vadd.f32 v29, v27  }
0x1cb: {  	v38 =	vld.idx.msk [tilespmem:v63+s12+$0x0], $0xffff  }
0x1cc: {  	s25 =	sor.u32 s18, s24;
	v63 =	vld [tilespmem:$0x1FF80];
	v27 =	vadd.f32 v34, v27  }
0x1cd: {  	v10 =	vld [tilespmem:s25+$0x0]  }
0x1ce: {  	v30 =	vmul.f32 v30, v49;
	v9 =	vld [tilespmem:$0x1FE30];
	v27 =	vadd.f32 v32, v27  }
0x1cf: {  	v35 =	vld.idx.msk [tilespmem:v48+s12+$0x0], $0xffff  }
0x1d0: {  	v27 =	vadd.f32 v30, v27;
	v30 =	vld [tilespmem:$0x1FF10]  }
0x1d1: {  	s28 =	rddreg [dreg:$0x10];
	v51 =	vadd.s32 $0x80, v0;
	v49 =	vld [tilespmem:$0x1FF90]  }
0x1d2: {  	s1 =	sor.u32 s18, s28;
	v59 =	vld [tilespmem:$0x1FED0]  }
0x1d3: {  	s26 =	sor.u32 s18, s20;
	v55 =	vadd.s32 $0x100, v0;
	v11 =	vld [tilespmem:s1+$0x0];
	v33 =	vmul.f32 v46, v9  }
0x1d4: {  	v9 =	vld [tilespmem:s26+$0x0]  }
0x1d5: {  	v47 =	vadd.s32 $0x1000, v0;
	v13 =	vadd.f32 v33, v13;
	v33 =	vld.idx.msk [tilespmem:v0+s12+$0x0], $0xffff;
	v30 =	vmul.f32 v35, v30  }
0x1d6: {  	v60 =	vadd.s32 $0x180, v0;
	v61 =	vld.idx.msk [tilespmem:v51+s12+$0x0], $0xffff  }
0x1d7: {  	v27 =	vadd.f32 v30, v27;
	v30 =	vld [tilespmem:$0x1FF30]  }
0x1d8: {  	v48 =	vadd.s32 $0x200, v0;
	v13 =	vadd.f32 v37, v13;
	v37 =	vld.idx.msk [tilespmem:v55+s12+$0x0], $0xffff  }
0x1d9: {  	v51 =	vld [tilespmem:$0x1FF00]  }
0x1da: {  	v29 =	vld.idx.msk [tilespmem:v47+s12+$0x0], $0xffff  }
0x1db: {  	v43 =	vmul.f32 v59, v58;
	v13 =	vadd.f32 v42, v13;
	v42 =	vld.idx.msk [tilespmem:v60+s12+$0x0], $0xffff  }
0x1dc: {  	v60 =	vld [tilespmem:$0x1FF60];
	v30 =	vmul.f32 v36, v30  }
0x1dd: {  	v50 =	vadd.s32 $0x480, v0;
	v13 =	vadd.f32 v43, v13;
	v43 =	vld.idx.msk [tilespmem:v48+s12+$0x0], $0xffff  }
0x1de: {  	v52 =	vadd.s32 $0x280, v0;
	v27 =	vadd.f32 v30, v27;
	v30 =	vld [tilespmem:$0x1FF50]  }
0x1df: {  	v33 =	vmul.f32 v33, v51;
	v51 =	vld [tilespmem:$0x1FFA0]  }
0x1e0: {  	v34 =	vmul.f32 v61, v54;
	v54 =	vld [tilespmem:$0x1FFC0]  }
0x1e1: {  	v41 =	vcvt.s32.f32 v41;
	v55 =	vadd.s32 $0x300, v0;
	v37 =	vmul.f32 v37, v57;
	v57 =	vld [tilespmem:$0x1FFE0]  }
0x1e2: {  	v58 =	vadd.s32 $0x500, v0;
	v32 =	vld.idx.msk [tilespmem:v50+s12+$0x0], $0xffff  }
0x1e3: {  	v13 =	vadd.f32 v41, v13;
	v41 =	vld.idx.msk [tilespmem:v52+s12+$0x0], $0xffff;
	v29 =	vadd.f32 v33, v29;
	v30 =	vmul.f32 v40, v30  }
0x1e4: {  	v53 =	vadd.s32 $0x380, v0;
	v52 =	vld [tilespmem:$0x1FFB0]  }
0x1e5: {  	v56 =	vadd.s32 $0x400, v0;
	v29 =	vadd.f32 v34, v29;
	v27 =	vadd.f32 v30, v27;
	v30 =	vld [tilespmem:$0x1FF70]  }
0x1e6: {  	v59 =	vadd.s32 $0x580, v0;
	v33 =	vld.idx.msk [tilespmem:v55+s12+$0x0], $0xffff  }
0x1e7: {  	v42 =	vmul.f32 v42, v60;
	v55 =	vld [tilespmem:$0x1FFD0];
	v29 =	vadd.f32 v37, v29  }
0x1e8: {  	v62 =	vadd.s32 $0x700, v0;
	v34 =	vld.idx.msk [tilespmem:v58+s12+$0x0], $0xffff  }
0x1e9: {  	v61 =	vadd.s32 $0x600, v0;
	v43 =	vmul.f32 v43, v63;
	v35 =	vld.idx.msk [tilespmem:v53+s12+$0x0], $0xffff;
	v29 =	vadd.f32 v42, v29  }
0x1ea: {  	v8 =	vcvt.s32.f32 v8;
	v48 =	vadd.s32 $0x680, v0;
	v36 =	vld.idx.msk [tilespmem:v56+s12+$0x0], $0xffff;
	v30 =	vmul.f32 v38, v30  }
0x1eb: {  	v50 =	vadd.s32 $0x880, v0;
	v41 =	vmul.f32 v41, v49;
	v29 =	vadd.f32 v43, v29;
	v40 =	vld.idx.msk [tilespmem:v59+s12+$0x0], $0xffff  }
0x1ec: {  	v59 =	vmul.f32 $7.812500000e-03, v3;
	v3 =	vld [tilespmem:$0x1FFF0];
	v27 =	vadd.f32 v30, v27;
	v30 =	vadd.s32 $0x780, v0  }
0x1ed: {  	v58 =	vadd.s32 $0xC80, v0;
	v33 =	vmul.f32 v33, v52;
	v38 =	vld.idx.msk [tilespmem:v62+s12+$0x0], $0xffff  }
0x1ee: {  	v37 =	vld.idx.msk [tilespmem:v61+s12+$0x0], $0xffff;
	v29 =	vadd.f32 v41, v29;
	v8 =	vadd.f32 v8, v27;
	v27 =	vadd.s32 $0x980, v0  }
0x1ef: {  	v61 =	vadd.s32 $0xD80, v0;
	v44 =	vmul.f32 v32, v55;
	v53 =	vadd.s32 $0xA80, v0;
	v42 =	vld.idx.msk [tilespmem:v48+s12+$0x0], $0xffff  }
0x1f0: {  	v43 =	vld.idx.msk [tilespmem:v50+s12+$0x0], $0xffff;
	v35 =	vmul.f32 v35, v51;
	v33 =	vadd.f32 v33, v29;
	v56 =	vadd.s32 $0xB80, v0  }
0x1f1: {  	v32 =	vmul.f32 v26, v12;
	v40 =	vmul.f32 v40, v3;
	v3 =	vadd.s32 $0xE80, v0;
	v30 =	vld.idx.msk [tilespmem:v30+s12+$0x0], $0xffff  }
0x1f2: {  	v60 =	vadd.f32 v35, v33;
	v36 =	vmul.f32 v36, v54;
	v33 =	vmul.f32 v38, v6;
	v6 =	vld.idx.msk [tilespmem:v58+s12+$0x0], $0xffff  }
0x1f3: {  	v26 =	vmul.f32 v23, v15;
	v29 =	vmul.f32 v37, v5;
	v5 =	vadd.s32 $0xE00, v0;
	v27 =	vld.idx.msk [tilespmem:v27+s12+$0x0], $0xffff  }
0x1f4: {  	v15 =	vmul.f32 v19, v17;
	v41 =	vld.idx.msk [tilespmem:v53+s12+$0x0], $0xffff;
	v35 =	vmul.f32 v42, v4;
	v4 =	vadd.f32 v36, v60  }
0x1f5: {  	v12 =	vmul.f32 v31, v21;
	v17 =	vmul.f32 v28, v20;
	v63 =	vld.idx.msk [tilespmem:v56+s12+$0x0], $0xffff  }
0x1f6: {  	s30 =	sor.u32 s18, s19;
	v45 =	vmul.f32 v34, v57;
	v3 =	vld.idx.msk [tilespmem:v3+s12+$0x0], $0xffff;
	v34 =	vmul.f32 v30, v7;
	v7 =	vadd.f32 v44, v4  }
0x1f7: {  	[tilespmem:s21+$0x9480] =	vst v59;
	v62 =	vmul.f32 $7.812500000e-03, v13;
	v19 =	vmul.f32 v6, v24;
	v6 =	vld [tilespmem:s30+$0x0]  }
0x1f8: {  	s31 =	simm.s32 $0x9480;
	s29 =	rddreg [dreg:$0xf];
	v8 =	vmul.f32 $7.812500000e-03, v8;
	v4 =	vld.idx.msk [tilespmem:v5+s12+$0x0], $0xffff;
	v27 =	vmul.f32 v27, v16;
	v16 =	vadd.f32 v45, v7  }
0x1f9: {  	v21 =	vmul.f32 v39, v25;
	s0 =	sor.u32 s18, s29;
	v13 =	vmul.f32 v41, v18;
	[tilespmem:s31+$0x0] =	vst v62;
	v5 =	vld.idx.msk [tilespmem:v61+s12+$0x0], $0xffff  }
0x1fa: {  	s20 =	simm.s32 $0x40;
	s19 =	simm.s32 $0x2;
	s18 =	simm.s32 $0x9480;
	[tilespmem:s3+$0x9480] =	vst v8;
	v30 =	vmul.f32 v43, v14;
	v14 =	vmul.f32 v63, v22;
	v7 =	vld [tilespmem:s0+$0x0];
	v8 =	vadd.f32 v40, v16  }
.LBB2_2:
0x1fb: {  	v28 =	vld [tilespmem:s20+$0x0];
	s3 =	rddreg [dreg:$0x4]  }
0x1fc: {  	s3 =	sadd.s32 $0x20, s3  }
0x1fd: {  	s1 =	sand.u32 $0x60, s3  }
0x1fe: {  	s8 =	rddreg [dreg:$0x5];
	s0 =	sand.u32 $0x380, s3;
	s2 =	sor.u32 $0x10, s1  }
0x1ff: {  	v8 =	vadd.f32 v29, v8;
	s9 =	sor.u32 s0, s2;
	s0 =	sadd.s32 $0x100, s8  }
0x200: {  	[dreg:$0x4] =	wrdreg s3;
	s3 =	sor.u32 s0, s3  }
0x201: {  	v25 =	vmul.f32 v4, v9;
	v4 =	vadd.f32 v35, v8;
	s5 =	sand.u32 $0x1C00, s0;
	s3 =	sor.u32 $0x380, s3  }
0x202: {  	s6 =	sadd.s32 $0x400, s5;
	v49 =	vld [tilespmem:s3+$0x400]  }
0x203: {  	v31 =	vmul.f32 v2, v7;
	v2 =	vadd.f32 v33, v4;
	s10 =	sor.u32 s2, s6;
	v16 =	vld.idx.msk [tilespmem:v28+s12+$0x0], $0xffff  }
0x204: {  	v63 =	vmul.f32 v1, v6;
	v1 =	vadd.s32 $0xF80, v28;
	v50 =	vld [tilespmem:s10+$0x0]  }
0x205: {  	v29 =	vmul.f32 v3, v11;
	v3 =	vadd.s32 $0xF00, v28;
	v2 =	vadd.f32 v34, v2;
	v51 =	vld [tilespmem:s10+$0x80]  }
0x206: {  	v4 =	vadd.s32 $0xE80, v28;
	v54 =	vld [tilespmem:s10+$0x180]  }
0x207: {  	v23 =	vmul.f32 v5, v10;
	v5 =	vadd.s32 $0xE00, v28;
	v56 =	vld [tilespmem:s10+$0x200];
	v2 =	vadd.f32 v32, v2  }
0x208: {  	v6 =	vadd.s32 $0xD80, v28;
	v60 =	vld [tilespmem:s10+$0x280]  }
0x209: {  	v7 =	vadd.s32 $0xD00, v28;
	v1 =	vld.idx.msk [tilespmem:v1+s12+$0x0], $0xffff;
	v8 =	vadd.f32 v30, v2  }
0x20a: {  	v9 =	vadd.s32 $0xC80, v28;
	v2 =	vld.idx.msk [tilespmem:v3+s12+$0x0], $0xffff  }
0x20b: {  	v11 =	vadd.s32 $0xB80, v28;
	v3 =	vld.idx.msk [tilespmem:v4+s12+$0x0], $0xffff;
	v8 =	vadd.f32 v26, v8  }
0x20c: {  	v20 =	vadd.s32 $0xA80, v28;
	v4 =	vld.idx.msk [tilespmem:v5+s12+$0x0], $0xffff  }
0x20d: {  	v10 =	vadd.s32 $0xC00, v28;
	v5 =	vld.idx.msk [tilespmem:v6+s12+$0x0], $0xffff;
	v8 =	vadd.f32 v27, v8  }
0x20e: {  	v18 =	vadd.s32 $0xB00, v28;
	v6 =	vld.idx.msk [tilespmem:v7+s12+$0x0], $0xffff  }
0x20f: {  	v37 =	vadd.s32 $0x100, v28;
	v7 =	vld.idx.msk [tilespmem:v9+s12+$0x0], $0xffff;
	v15 =	vadd.f32 v15, v8  }
0x210: {  	v39 =	vadd.s32 $0x80, v28;
	v9 =	vld.idx.msk [tilespmem:v11+s12+$0x0], $0xffff  }
0x211: {  	v24 =	vadd.s32 $0x980, v28;
	v11 =	vld.idx.msk [tilespmem:v20+s12+$0x0], $0xffff;
	v13 =	vadd.f32 v13, v15  }
0x212: {  	v22 =	vadd.s32 $0xA00, v28;
	v8 =	vld.idx.msk [tilespmem:v10+s12+$0x0], $0xffff  }
0x213: {  	v10 =	vld.idx.msk [tilespmem:v18+s12+$0x0], $0xffff;
	v18 =	vadd.s32 $0x800, v28;
	v20 =	vadd.f32 v12, v13  }
0x214: {  	v32 =	vld.idx.msk [tilespmem:v37+s12+$0x0], $0xffff;
	v27 =	vadd.s32 $0x780, v28  }
0x215: {  	v34 =	vld.idx.msk [tilespmem:v39+s12+$0x0], $0xffff;
	v26 =	vadd.s32 $0x900, v28;
	v20 =	vadd.f32 v14, v20  }
0x216: {  	v13 =	vld.idx.msk [tilespmem:v24+s12+$0x0], $0xffff;
	v24 =	vadd.s32 $0x680, v28  }
0x217: {  	v12 =	vld.idx.msk [tilespmem:v22+s12+$0x0], $0xffff;
	v22 =	vadd.s32 $0x700, v28;
	v20 =	vadd.f32 v17, v20  }
0x218: {  	v30 =	vadd.s32 $0x580, v28;
	v17 =	vld.idx.msk [tilespmem:v18+s12+$0x0], $0xffff  }
0x219: {  	v15 =	vadd.s32 $0x880, v28;
	v18 =	vld.idx.msk [tilespmem:v27+s12+$0x0], $0xffff;
	v27 =	vadd.f32 v19, v20  }
0x21a: {  	v14 =	vld.idx.msk [tilespmem:v26+s12+$0x0], $0xffff;
	v26 =	vadd.s32 $0x600, v28  }
0x21b: {  	v20 =	vld.idx.msk [tilespmem:v24+s12+$0x0], $0xffff;
	v24 =	vadd.f32 v21, v27;
	v27 =	vadd.s32 $0x380, v28  }
0x21c: {  	v19 =	vld.idx.msk [tilespmem:v22+s12+$0x0], $0xffff  }
0x21d: {  	v40 =	vadd.s32 $0x500, v28;
	v22 =	vld.idx.msk [tilespmem:v30+s12+$0x0], $0xffff;
	v30 =	vadd.f32 v23, v24  }
0x21e: {  	v41 =	vadd.s32 $0x480, v28;
	v15 =	vld.idx.msk [tilespmem:v15+s12+$0x0], $0xffff  }
0x21f: {  	v42 =	vadd.s32 $0x400, v28;
	v21 =	vld.idx.msk [tilespmem:v26+s12+$0x0], $0xffff;
	v30 =	vadd.f32 v25, v30  }
0x220: {  	v26 =	vadd.s32 $0x300, v28;
	v36 =	vld.idx.msk [tilespmem:v27+s12+$0x0], $0xffff  }
0x221: {  	v44 =	vadd.s32 $0x200, v28;
	v27 =	vadd.f32 v29, v30;
	v30 =	vld [tilespmem:s9+$0x0]  }
0x222: {  	v43 =	vadd.s32 $0x280, v28;
	v23 =	vld.idx.msk [tilespmem:v40+s12+$0x0], $0xffff  }
0x223: {  	v24 =	vld.idx.msk [tilespmem:v41+s12+$0x0], $0xffff  }
0x224: {  	v45 =	vadd.s32 $0x180, v28;
	v25 =	vld.idx.msk [tilespmem:v42+s12+$0x0], $0xffff  }
0x225: {  	v26 =	vld.idx.msk [tilespmem:v26+s12+$0x0], $0xffff  }
0x226: {  	v29 =	vld.idx.msk [tilespmem:v44+s12+$0x0], $0xffff;
	v47 =	vadd.s32 $0x1000, v30  }
0x227: {  	v31 =	vadd.f32 v31, v27;
	v27 =	vld.idx.msk [tilespmem:v43+s12+$0x0], $0xffff;
	v48 =	vadd.s32 $0x80, v30  }
0x228: {  	v38 =	vadd.s32 $0x1000, v28;
	v43 =	vld [tilespmem:s10+$0x100]  }
0x229: {  	v33 =	vadd.f32 v63, v31;
	v31 =	vld.idx.msk [tilespmem:v45+s12+$0x0], $0xffff;
	v40 =	vadd.s32 $0x100, v30  }
0x22a: {  	v46 =	vcvt.s32.f32 v0;
	v42 =	vadd.s32 $0x180, v30;
	v41 =	vld.idx.msk [tilespmem:v30+s12+$0x0], $0xffff  }
0x22b: {  	v52 =	vadd.s32 $0x200, v30;
	v35 =	vld.idx.msk [tilespmem:v47+s12+$0x0], $0xffff  }
0x22c: {  	s11 =	rddreg [dreg:$0x6];
	v0 =	vmov v28;
	v44 =	vadd.s32 $0x280, v30;
	v28 =	vadd.f32 v46, v33;
	v37 =	vld.idx.msk [tilespmem:v48+s12+$0x0], $0xffff  }
0x22d: {  	s4 =	sor.u32 s1, s6;
	s6 =	sadd.s32 $0x1, s11;
	v45 =	vadd.s32 $0x300, v30;
	v33 =	vld.idx.msk [tilespmem:v38+s12+$0x0], $0xffff  }
0x22e: {  	[dreg:$0x6] =	wrdreg s6;
	s6 =	sand.u32 $0x3, s6;
	v28 =	vmul.f32 $7.812500000e-03, v28;
	v40 =	vld.idx.msk [tilespmem:v40+s12+$0x0], $0xffff  }
0x22f: {  	s18 =	sadd.s32 $0x20, s18;
	s6 =	sshll.u32 s6, $0x5;
	v53 =	vld.idx.msk [tilespmem:v42+s12+$0x0], $0xffff;
	v39 =	vmul.f32 v41, v50  }
0x230: {  	s6 =	sadd.s32 s6, s0;
	v57 =	vadd.s32 $0x380, v30;
	[tilespmem:s18+$0x0] =	vst v28;
	v55 =	vld.idx.msk [tilespmem:v52+s12+$0x0], $0xffff  }
0x231: {  	s13 =	sadd.s32 $0x10, s6;
	v28 =	vmul.f32 v36, v49;
	v59 =	vld.idx.msk [tilespmem:v44+s12+$0x0], $0xffff;
	v35 =	vadd.f32 v39, v35;
	v36 =	vmul.f32 v37, v51  }
0x232: {  	[dreg:$0x5] =	wrdreg s0;
	s0 =	sor.u32 $0x300, s6;
	s6 =	sor.u32 $0x300, s13;
	v61 =	vadd.s32 $0x400, v30;
	v63 =	vld.idx.msk [tilespmem:v45+s12+$0x0], $0xffff  }
0x233: {  	s3 =	sor.u32 $0x380, s13;
	v48 =	vld [tilespmem:s6+$0x400];
	v58 =	vmul.f32 v40, v43;
	v35 =	vadd.f32 v36, v35  }
0x234: {  	v49 =	vadd.s32 $0x480, v30;
	v52 =	vld [tilespmem:s3+$0x400]  }
0x235: {  	v47 =	vld [tilespmem:s4+$0x0];
	v62 =	vmul.f32 v53, v54;
	v35 =	vadd.f32 v58, v35  }
0x236: {  	s14 =	sadd.s32 $0x2400, s5;
	v51 =	vld.idx.msk [tilespmem:v57+s12+$0x0], $0xffff  }
0x237: {  	s16 =	sor.u32 s2, s14;
	v50 =	vmul.f32 v55, v56;
	v53 =	vadd.s32 $0x500, v30;
	v55 =	vld.idx.msk [tilespmem:v61+s12+$0x0], $0xffff;
	v35 =	vadd.f32 v62, v35  }
0x238: {  	s17 =	sadd.s32 $0x2480, s5;
	v56 =	vld [tilespmem:s16+$0x0];
	v57 =	vadd.s32 $0x580, v30  }
0x239: {  	s23 =	sadd.s32 $0x2500, s5;
	s22 =	sor.u32 s2, s17;
	v54 =	vmul.f32 v59, v60;
	v59 =	vld.idx.msk [tilespmem:v49+s12+$0x0], $0xffff;
	v35 =	vadd.f32 v50, v35  }
0x23a: {  	s24 =	sor.u32 s2, s23;
	v60 =	vld [tilespmem:s22+$0x0];
	v61 =	vadd.s32 $0x600, v30  }
0x23b: {  	v58 =	vmul.f32 v63, v48;
	v48 =	vld [tilespmem:s24+$0x0];
	v35 =	vadd.f32 v54, v35  }
0x23c: {  	s25 =	sadd.s32 $0x2580, s5;
	v49 =	vadd.s32 $0x680, v30;
	v63 =	vld.idx.msk [tilespmem:v53+s12+$0x0], $0xffff  }
0x23d: {  	s26 =	sor.u32 s2, s25;
	v62 =	vmul.f32 v51, v52;
	v51 =	vld.idx.msk [tilespmem:v57+s12+$0x0], $0xffff;
	v35 =	vadd.f32 v58, v35  }
0x23e: {  	s28 =	sadd.s32 $0x2600, s5;
	v53 =	vadd.s32 $0x700, v30;
	v52 =	vld [tilespmem:s26+$0x0]  }
0x23f: {  	s29 =	sor.u32 s2, s28;
	v50 =	vmul.f32 v55, v56;
	v55 =	vld.idx.msk [tilespmem:v61+s12+$0x0], $0xffff;
	v35 =	vadd.f32 v62, v35  }
0x240: {  	s30 =	sadd.s32 $0x2680, s5;
	v57 =	vadd.s32 $0x780, v30;
	v56 =	vld [tilespmem:s29+$0x0]  }
0x241: {  	s31 =	sor.u32 s2, s30;
	v54 =	vmul.f32 v59, v60;
	v59 =	vld.idx.msk [tilespmem:v49+s12+$0x0], $0xffff;
	v35 =	vadd.f32 v50, v35  }
0x242: {  	[dreg:$0x7] =	wrdreg s0;
	s0 =	sadd.s32 $0x2700, s5;
	v61 =	vadd.s32 $0x800, v30;
	v60 =	vld [tilespmem:s31+$0x0]  }
0x243: {  	s7 =	sor.u32 s2, s0;
	v58 =	vmul.f32 v63, v48;
	v63 =	vld.idx.msk [tilespmem:v53+s12+$0x0], $0xffff;
	v35 =	vadd.f32 v54, v35  }
0x244: {  	s8 =	sadd.s32 $0x2780, s5;
	v49 =	vadd.s32 $0x880, v30;
	v48 =	vld [tilespmem:s7+$0x0]  }
0x245: {  	s15 =	sor.u32 s1, s14;
	s14 =	sor.u32 s2, s8;
	v62 =	vmul.f32 v51, v52;
	v51 =	vld.idx.msk [tilespmem:v57+s12+$0x0], $0xffff;
	v35 =	vadd.f32 v58, v35  }
0x246: {  	[dreg:$0x8] =	wrdreg s15;
	s15 =	sadd.s32 $0x4400, s5;
	v53 =	vadd.s32 $0x900, v30;
	v52 =	vld [tilespmem:s14+$0x0]  }
0x247: {  	s16 =	sor.u32 s2, s15;
	v50 =	vmul.f32 v55, v56;
	v55 =	vld.idx.msk [tilespmem:v61+s12+$0x0], $0xffff;
	v35 =	vadd.f32 v62, v35  }
0x248: {  	s21 =	sor.u32 s1, s17;
	s17 =	sadd.s32 $0x4480, s5;
	v57 =	vadd.s32 $0x980, v30;
	v56 =	vld [tilespmem:s16+$0x0]  }
0x249: {  	s26 =	sor.u32 s2, s17;
	v54 =	vmul.f32 v59, v60;
	v59 =	vld.idx.msk [tilespmem:v49+s12+$0x0], $0xffff;
	v35 =	vadd.f32 v50, v35  }
0x24a: {  	s13 =	sor.u32 s1, s28;
	s28 =	sadd.s32 $0x4500, s5;
	v61 =	vadd.s32 $0xA00, v30;
	v60 =	vld [tilespmem:s26+$0x0]  }
0x24b: {  	s29 =	sor.u32 s2, s28;
	v58 =	vmul.f32 v63, v48;
	v63 =	vld.idx.msk [tilespmem:v53+s12+$0x0], $0xffff;
	v35 =	vadd.f32 v54, v35  }
0x24c: {  	[dreg:$0x9] =	wrdreg s21;
	s21 =	sor.u32 s1, s30;
	s30 =	sadd.s32 $0x4580, s5;
	v49 =	vadd.s32 $0xA80, v30;
	v48 =	vld [tilespmem:s29+$0x0]  }
0x24d: {  	s31 =	sor.u32 s2, s30;
	v62 =	vmul.f32 v51, v52;
	v51 =	vld.idx.msk [tilespmem:v57+s12+$0x0], $0xffff;
	v35 =	vadd.f32 v58, v35  }
0x24e: {  	s22 =	sor.u32 s1, s0;
	s0 =	sadd.s32 $0x4600, s5;
	v53 =	vadd.s32 $0xB00, v30;
	v52 =	vld [tilespmem:s31+$0x0]  }
0x24f: {  	s6 =	sor.u32 s2, s0;
	v50 =	vmul.f32 v55, v56;
	v55 =	vld.idx.msk [tilespmem:v61+s12+$0x0], $0xffff;
	v35 =	vadd.f32 v62, v35  }
0x250: {  	s7 =	sadd.s32 $0x4680, s5;
	v57 =	vadd.s32 $0xB80, v30;
	v56 =	vld [tilespmem:s6+$0x0]  }
0x251: {  	s10 =	sor.u32 s1, s23;
	s23 =	sor.u32 s1, s8;
	s8 =	sor.u32 s2, s7;
	v54 =	vmul.f32 v59, v60;
	v59 =	vld.idx.msk [tilespmem:v49+s12+$0x0], $0xffff;
	v35 =	vadd.f32 v50, v35  }
0x252: {  	s14 =	sadd.s32 $0x4700, s5;
	v61 =	vadd.s32 $0xC00, v30;
	v60 =	vld [tilespmem:s8+$0x0]  }
0x253: {  	s24 =	sor.u32 s1, s15;
	s15 =	sor.u32 s2, s14;
	v58 =	vmul.f32 v63, v48;
	v63 =	vld.idx.msk [tilespmem:v53+s12+$0x0], $0xffff;
	v35 =	vadd.f32 v54, v35  }
0x254: {  	s16 =	sadd.s32 $0x4780, s5;
	v49 =	vadd.s32 $0xC80, v30;
	v48 =	vld [tilespmem:s15+$0x0]  }
0x255: {  	s26 =	sor.u32 s1, s28;
	s6 =	sor.u32 s2, s16;
	v62 =	vmul.f32 v51, v52;
	v51 =	vld.idx.msk [tilespmem:v57+s12+$0x0], $0xffff;
	v35 =	vadd.f32 v58, v35  }
0x256: {  	s28 =	sor.u32 s1, s30;
	s30 =	sor.u32 s1, s7;
	s7 =	sadd.s32 $0x6400, s5;
	v53 =	vadd.s32 $0xD00, v30;
	v52 =	vld [tilespmem:s6+$0x0]  }
0x257: {  	s11 =	sor.u32 s1, s25;
	s25 =	sor.u32 s1, s17;
	s17 =	sor.u32 s2, s7;
	v50 =	vmul.f32 v55, v56;
	v55 =	vld.idx.msk [tilespmem:v61+s12+$0x0], $0xffff;
	v35 =	vadd.f32 v62, v35  }
0x258: {  	s29 =	sor.u32 s1, s0;
	s0 =	sadd.s32 $0x6480, s5;
	v57 =	vadd.s32 $0xD80, v30;
	v56 =	vld [tilespmem:s17+$0x0]  }
0x259: {  	s8 =	sor.u32 s1, s7;
	s7 =	sor.u32 s2, s0;
	v54 =	vmul.f32 v59, v60;
	v59 =	vld.idx.msk [tilespmem:v49+s12+$0x0], $0xffff;
	v35 =	vadd.f32 v50, v35  }
0x25a: {  	s15 =	sadd.s32 $0x6500, s5;
	v61 =	vadd.s32 $0xE00, v30;
	v60 =	vld [tilespmem:s7+$0x0]  }
0x25b: {  	s3 =	sor.u32 s1, s16;
	s16 =	sor.u32 s2, s15;
	v58 =	vmul.f32 v63, v48;
	v63 =	vld.idx.msk [tilespmem:v53+s12+$0x0], $0xffff;
	v35 =	vadd.f32 v54, v35  }
0x25c: {  	s31 =	sor.u32 s1, s14;
	s14 =	sor.u32 s1, s0;
	s0 =	sadd.s32 $0x6580, s5;
	v49 =	vadd.s32 $0xE80, v30;
	v48 =	vld [tilespmem:s16+$0x0]  }
0x25d: {  	s16 =	sor.u32 s2, s0;
	v62 =	vmul.f32 v51, v52;
	v51 =	vld.idx.msk [tilespmem:v57+s12+$0x0], $0xffff;
	v35 =	vadd.f32 v58, v35  }
0x25e: {  	s17 =	sor.u32 s1, s15;
	s15 =	sor.u32 s1, s0;
	s0 =	sadd.s32 $0x6600, s5;
	v52 =	vld [tilespmem:s16+$0x0]  }
0x25f: {  	s7 =	sor.u32 s2, s0;
	v57 =	vadd.s32 $0xF80, v30;
	v50 =	vmul.f32 v55, v56;
	v55 =	vld.idx.msk [tilespmem:v61+s12+$0x0], $0xffff;
	v35 =	vadd.f32 v62, v35  }
0x260: {  	s16 =	sadd.s32 $0x6680, s5;
	v56 =	vld [tilespmem:s7+$0x0]  }
0x261: {  	v53 =	vadd.s32 $0xF00, v30;
	s7 =	sor.u32 s1, s16;
	s16 =	sor.u32 s2, s16;
	v54 =	vmul.f32 v59, v60;
	v59 =	vld.idx.msk [tilespmem:v49+s12+$0x0], $0xffff;
	v35 =	vadd.f32 v50, v35  }
0x262: {  	v60 =	vld [tilespmem:s16+$0x0]  }
0x263: {  	s6 =	sor.u32 s1, s0;
	s0 =	sadd.s32 $0x6700, s5;
	v49 =	vld [tilespmem:s4+$0x80];
	v58 =	vmul.f32 v63, v48;
	v35 =	vadd.f32 v54, v35  }
0x264: {  	s16 =	sor.u32 s1, s0;
	s0 =	sor.u32 s2, s0;
	v45 =	vld.idx.msk [tilespmem:v57+s12+$0x0], $0xffff  }
0x265: {  	s5 =	sadd.s32 $0x6780, s5;
	v61 =	vmul.f32 v51, v52;
	v63 =	vld [tilespmem:s0+$0x0];
	v35 =	vadd.f32 v58, v35  }
0x266: {  	s1 =	sor.u32 s1, s5;
	s5 =	sor.u32 s2, s5;
	v62 =	vld.idx.msk [tilespmem:v53+s12+$0x0], $0xffff  }
0x267: {  	v46 =	vld [tilespmem:s5+$0x0];
	v44 =	vmul.f32 v55, v56;
	v35 =	vadd.f32 v61, v35  }
0x268: {  	v52 =	vld [tilespmem:s4+$0x180]  }
0x269: {  	s2 =	rddreg [dreg:$0x7];
	v55 =	vld [tilespmem:s4+$0x280];
	v48 =	vmul.f32 v59, v60;
	v35 =	vadd.f32 v44, v35  }
0x26a: {  	v56 =	vld [tilespmem:s2+$0x400]  }
0x26b: {  	v50 =	vld [tilespmem:s4+$0x100];
	v51 =	vmul.f32 v62, v63;
	v35 =	vadd.f32 v48, v35  }
0x26c: {  	v16 =	vmul.f32 v16, v47;
	v53 =	vld [tilespmem:s4+$0x200]  }
0x26d: {  	v59 =	vld [tilespmem:s10+$0x0];
	v54 =	vmul.f32 v45, v46;
	v35 =	vadd.f32 v51, v35  }
0x26e: {  	v16 =	vadd.f32 v16, v33;
	v34 =	vmul.f32 v34, v49;
	v60 =	vld [tilespmem:s11+$0x0];
	s4 =	rddreg [dreg:$0x8]  }
0x26f: {  	v30 =	vcvt.s32.f32 v30;
	v57 =	vld [tilespmem:s4+$0x0];
	v35 =	vadd.f32 v54, v35  }
0x270: {  	v16 =	vadd.f32 v34, v16;
	v62 =	vld [tilespmem:s21+$0x0];
	v32 =	vmul.f32 v32, v50  }
0x271: {  	v63 =	vld [tilespmem:s24+$0x0];
	v30 =	vadd.f32 v30, v35  }
0x272: {  	s5 =	rddreg [dreg:$0x9];
	v31 =	vmul.f32 v31, v52;
	v61 =	vld [tilespmem:s13+$0x0];
	v16 =	vadd.f32 v32, v16  }
0x273: {  	v58 =	vld [tilespmem:s5+$0x0];
	v30 =	vmul.f32 $7.812500000e-03, v30  }
0x274: {  	v29 =	vmul.f32 v29, v53;
	v16 =	vadd.f32 v31, v16;
	v31 =	vld [tilespmem:s23+$0x0]  }
0x275: {  	[tilespmem:s9+$0x9480] =	vst v30;
	v30 =	vld [tilespmem:s22+$0x0]  }
0x276: {  	v27 =	vmul.f32 v27, v55;
	v16 =	vadd.f32 v29, v16;
	v35 =	vmul.f32 v20, v62;
	v20 =	vld [tilespmem:s26+$0x0]  }
0x277: {  	v29 =	vmul.f32 v21, v61;
	v21 =	vld [tilespmem:s25+$0x0]  }
0x278: {  	v26 =	vmul.f32 v26, v56;
	v32 =	vmul.f32 v17, v63;
	v17 =	vld [tilespmem:s30+$0x0];
	v16 =	vadd.f32 v27, v16  }
0x279: {  	v34 =	vmul.f32 v18, v31;
	v18 =	vld [tilespmem:s29+$0x0]  }
0x27a: {  	v16 =	vadd.f32 v26, v16;
	v33 =	vmul.f32 v19, v30;
	v19 =	vld [tilespmem:s28+$0x0]  }
0x27b: {  	v26 =	vmul.f32 v14, v20;
	v14 =	vld [tilespmem:s3+$0x0]  }
0x27c: {  	v25 =	vmul.f32 v25, v57;
	v16 =	vadd.f32 v28, v16;
	v30 =	vmul.f32 v15, v21;
	v21 =	vld [tilespmem:s31+$0x0]  }
0x27d: {  	v20 =	vld [tilespmem:s17+$0x0]  }
0x27e: {  	s19 =	sadd.s32 $0x2, s19;
	v24 =	vmul.f32 v24, v58;
	v16 =	vadd.f32 v25, v16;
	v15 =	vmul.f32 v12, v18;
	v18 =	vld [tilespmem:s14+$0x0]  }
0x27f: {  	p0 =	slt.u32 s19, $0x3E;
	v27 =	vmul.f32 v13, v19;
	v19 =	vld [tilespmem:s8+$0x0]  }
.Ltmp0:
0x280: {  	v23 =	vmul.f32 v23, v59;
	v16 =	vadd.f32 v24, v16;
	v14 =	vmul.f32 v9, v14;
	v9 =	vld [tilespmem:s6+$0x0];
	(pc) =	sbr.rel @p0 .LBB2_2-.Ltmp0, $4  }
0x281: {  	v12 =	vmul.f32 v10, v21;
	v10 =	vld [tilespmem:s15+$0x0]  }
0x282: {  	v22 =	vmul.f32 v22, v60;
	v16 =	vadd.f32 v23, v16;
	v13 =	vmul.f32 v11, v17;
	v11 =	vld [tilespmem:s7+$0x0]  }
0x283: {  	v21 =	vmul.f32 v6, v20;
	v6 =	vld [tilespmem:s1+$0x0]  }
0x284: {  	s20 =	sadd.s32 $0x20, s20;
	v17 =	vmul.f32 v8, v19;
	v8 =	vadd.f32 v22, v16;
	v19 =	vmul.f32 v7, v18;
	v7 =	vld [tilespmem:s16+$0x0]  }
0x285: {  	_ = 	snop  }
0x286: {  	v8 =	vadd.f32 v29, v8;
	_ =	sdelay $0x1  }
0x287: {  	v8 =	vadd.f32 v35, v8;
	_ =	sdelay $0x1  }
0x288: {  	v8 =	vadd.f32 v33, v8;
	_ =	sdelay $0x1  }
0x289: {  	v8 =	vadd.f32 v34, v8;
	_ =	sdelay $0x1  }
0x28a: {  	v8 =	vadd.f32 v32, v8;
	_ =	sdelay $0x1  }
0x28b: {  	v8 =	vadd.f32 v30, v8;
	_ =	sdelay $0x1  }
0x28c: {  	v8 =	vadd.f32 v26, v8;
	_ =	sdelay $0x1  }
0x28d: {  	v8 =	vadd.f32 v27, v8;
	_ =	sdelay $0x1  }
0x28e: {  	v8 =	vadd.f32 v15, v8;
	_ =	sdelay $0x1  }
0x28f: {  	v8 =	vadd.f32 v13, v8;
	_ =	sdelay $0x1  }
0x290: {  	v8 =	vadd.f32 v12, v8;
	_ =	sdelay $0x1  }
0x291: {  	v8 =	vadd.f32 v14, v8;
	_ =	sdelay $0x1  }
0x292: {  	v8 =	vadd.f32 v17, v8;
	_ =	sdelay $0x1  }
0x293: {  	v8 =	vadd.f32 v19, v8;
	_ =	sdelay $0x1  }
0x294: {  	v5 =	vmul.f32 v5, v10;
	v8 =	vadd.f32 v21, v8;
	_ =	sdelay $0x1  }
0x295: {  	v4 =	vmul.f32 v4, v9;
	v5 =	vadd.f32 v5, v8;
	_ =	sdelay $0x1  }
0x296: {  	v3 =	vmul.f32 v3, v11;
	v4 =	vadd.f32 v4, v5;
	_ =	sdelay $0x1  }
0x297: {  	v2 =	vmul.f32 v2, v7;
	v3 =	vadd.f32 v3, v4;
	_ =	sdelay $0x1  }
0x298: {  	v1 =	vmul.f32 v1, v6;
	v2 =	vadd.f32 v2, v3;
	_ =	sdelay $0x1  }
0x299: {  	v0 =	vcvt.s32.f32 v0;
	v1 =	vadd.f32 v1, v2;
	_ =	sdelay $0x1  }
0x29a: {  	v0 =	vadd.f32 v0, v1;
	_ =	sdelay $0x1  }
0x29b: {  	v0 =	vmul.f32 $7.812500000e-03, v0  }
0x29c: {  	s0 =	sadd.s32 $0x20, s18  }
0x29d: {  	[tilespmem:s0+$0x0] =	vst v0  }
0x29e: {  	s6 =	simm.s32 $0x0;
	s1 =	simm.s32 $0x9480;
	s0 =	rddreg [dreg:$0xc]  }
0x29f: {  	[hbm4b:s0+s6] =	stream.linear.scatter [tilespmem:s1], [sflag:$0x1], $0x400, $0x38;
	[tilespmem:$0x9880] =	vst v63  }
0x2a0: {  	s1 =	simm.s32 $0x1  }
0x2a1: {  	_ =	swait.ge [sflag:s1], $0x400  }
0x2a2: {  	s2 =	rddreg [dreg:$0xe]  }
0x2a3: {  	s31 =	rddreg [dreg:$0xd];
	s2 =	sadd.s32 $0x1, s2  }
0x2a4: {  	p0 =	sne.s32 s2, s31  }
.Ltmp1:
0x2a5: {  	_ = 	snop;
	(pc) =	sbr.rel @p0 .LBB2_1-.Ltmp1, $3  }
0x2a6: {  	_ =	sdelay $0x1  }
0x2a7: {  	[sflag:s1] =	ssyncset.done $0x0  }
0x2a8: {  	[sflag:s1] =	ssyncadd.s32 $0xFFFFFC00  }
0x2a9: {  	_ =	sfence.sel $0x180000  }
0x2aa: {  	[bflag:$0x0] =	sbarrier.arrive $0xFFFF  }
0x2ab: {  	_ =	strace $0x90000047  }
0x2ac: {  	s0 =	stileid.u32;
	[bflag:$0x2] =	sbarrier.arrive $0xFFFF  }
0x2ad: {  	p0 =	sne.s32 s0, $0x0;
	s0 =	rddreg [dreg:$0x3]  }
0x2ae: {  	s0 =	sadd.s32 @!p0 $0x100000, s0  }
0x2af: {  	[sflag:s0] =	ssyncadd.tile.s32 @!p0 $0x1;
	_ =	shalt  }
.Lfunc_end2:
_tile_overlayer_lowered:
.L_overlay_start_2:
0x2b0: {  	(tag) =	ssettag $0x2  }
0x2b1: {  	s0 =	rddreg [dreg:$0x0];
	s2 =	stileid.u32  }
0x2b2: {  	s1 =	rddreg [dreg:$0x1];
	p0 =	sne.s32 s2, $0x0  }
0x2b3: {  	s3 =	rddreg [dreg:$0x2];
	[bflag:$0x3] =	sbarrier.arrive $0xFFFF;
	s2 =	simm.s32 @!p0 $0x1C01  }
0x2b4: {  	[timem:s3], [sflag:s2] =	dma.local @!p0 [hbm:s0], s1  }
0x2b5: {  	s0 =	simm.s32 @!p0 $0x1  }
0x2b6: {  	_ =	swait.ge @!p0 [sflag:s0], s1  }
0x2b7: {  	s1 =	ssub.s32 @!p0 $0x0, s1;
	[sflag:s0] =	ssyncset.done @!p0 $0x0  }
0x2b8: {  	[sflag:s0] =	ssyncadd.s32 @!p0 s1  }
0x2b9: {  	[bflag:$0x3] =	sbarrier.arrive $0xFFFF  }
0x2ba: {  	_ =	shalt  }

</sc_bundles>
